<compile_context>
chip_gen: v7x
topology: tpu7x:2x2x1
jax: 0.10.2.dev20260603
libtpu: 0.0.44.dev20260713+nightly
codegen_flags: <defaults>
</compile_context>

<pallas_src>
import functools

import jax
import jax.numpy as jnp
from jax import lax
from jax.experimental import pallas as pl
from jax.experimental.pallas import tpu as pltpu
from jax.experimental.pallas import tpu_sc as plsc

D = 64
NC = 2
NS = 16
NW = NC * NS
CH = 512


@functools.partial(jax.jit, static_argnames=("n_flat",))
def _gather_flat(table, idx_flat, n_flat):
    bpw = n_flat // NW
    nchunk = bpw // CH
    npair = (nchunk - 2) // 2

    @functools.partial(
        pl.kernel,
        mesh=plsc.VectorSubcoreMesh(core_axis_name="c", subcore_axis_name="s"),
        out_type=jax.ShapeDtypeStruct((n_flat, D), jnp.float32),
        scratch_types=[
            pltpu.VMEM((2, CH), jnp.int32),
            pltpu.VMEM((2, CH, D), jnp.float32),
            pltpu.SemaphoreType.DMA,
            pltpu.SemaphoreType.DMA,
            pltpu.SemaphoreType.DMA,
            pltpu.SemaphoreType.DMA,
            pltpu.SemaphoreType.DMA,
            pltpu.SemaphoreType.DMA,
        ],
        compiler_params=pltpu.CompilerParams(use_tc_tiling_on_sc=False),
    )
    def body(table_hbm, idx_hbm, out_hbm, idx_v, rows_v,
             si0, si1, sg0, sg1, so0, so1):
        sem_i, sem_g, sem_o = (si0, si1), (sg0, sg1), (so0, so1)
        wid = lax.axis_index("s") * NC + lax.axis_index("c")
        base = wid * bpw

        def idx_cp(c, b):
            return pltpu.make_async_copy(
                idx_hbm.at[pl.ds(base + c * CH, CH)], idx_v.at[b], sem_i[b])

        def gat_cp(b):
            return pltpu.make_async_copy(
                table_hbm.at[idx_v.at[b]], rows_v.at[b], sem_g[b])

        def out_cp(c, b):
            return pltpu.make_async_copy(
                rows_v.at[b], out_hbm.at[pl.ds(base + c * CH, CH)], sem_o[b])

        idx_cp(0, 0).start()
        idx_cp(1, 1).start()
        idx_cp(0, 0).wait()
        gat_cp(0).start()
        idx_cp(1, 1).wait()
        gat_cp(1).start()

        def pair(g2, carry):
            for b in (0, 1):
                c = 2 * g2 + b
                gat_cp(b).wait()
                out_cp(c, b).start()
                idx_cp(c + 2, b).start()
                out_cp(c, b).wait()
                idx_cp(c + 2, b).wait()
                gat_cp(b).start()
            return carry

        lax.fori_loop(0, npair, pair, 0)

        for b, c in ((0, nchunk - 2), (1, nchunk - 1)):
            gat_cp(b).wait()
            out_cp(c, b).start()
        for b, c in ((0, nchunk - 2), (1, nchunk - 1)):
            out_cp(c, b).wait()

    return body(table, idx_flat)


def kernel(data, table):
    n_flat = data.size
    out = _gather_flat(table, data.reshape(-1), n_flat)
    return out.reshape(data.shape + (table.shape[1],))

# --- scband reference (transcript-rebuilt; emitter-appended) ---
"""Pipeline reference for scband-my-embedding-8710193676734 (READ-ONLY COPY).

The authoritative reference and input builder live on the scoring server;
editing this copy changes nothing except your own understanding.
"""

import jax, jax.numpy as jnp
import numpy as np

VOCAB = 1000000
EMB = 64
PAD = VOCAB  # padding_idx = vocab length l


def setup_inputs(seed: int = 0) -> dict:
    key = jax.random.key(seed)
    k1, k2 = jax.random.split(key)
    data = jax.random.randint(k1, (4096, 200), 0, VOCAB, dtype=jnp.int32)
    # embedding table has VOCAB + 1 rows; last row is the padding row (zeros)
    table = jax.random.normal(k2, (VOCAB + 1, EMB), dtype=jnp.float32)
    table = table.at[PAD].set(0.0)
    return {"data": data, "table": table}


def reference(data, table):
    # nn.Embedding forward: simple row gather
    return jnp.take(table, data, axis=0)

if __name__ == "__main__":
    import jax
    _d = setup_inputs()
    print(jax.jit(kernel)(*tuple(_d.values())))

</pallas_src>

<mosaic_0001>
#map = affine_map<(d0, d1) -> (0, 0)>
#map1 = affine_map<(d0, d1) -> (0)>
module attributes {stable_mosaic.version = 14 : i64} {
  func.func @body(%arg0: i32, %arg1: i32, %arg2: memref<1000001x64xf32, #tpu.memory_space<hbm>>, %arg3: memref<819200xi32, #tpu.memory_space<hbm>>, %arg4: memref<819200x64xf32, #tpu.memory_space<hbm>>, %arg5: memref<2x512xi32, #tpu.memory_space<vmem>>, %arg6: memref<2x512x64xf32, #tpu.memory_space<vmem>>, %arg7: memref<!tpu.dma_semaphore, #tpu.memory_space<semaphore_mem>>, %arg8: memref<!tpu.dma_semaphore, #tpu.memory_space<semaphore_mem>>, %arg9: memref<!tpu.dma_semaphore, #tpu.memory_space<semaphore_mem>>, %arg10: memref<!tpu.dma_semaphore, #tpu.memory_space<semaphore_mem>>, %arg11: memref<!tpu.dma_semaphore, #tpu.memory_space<semaphore_mem>>, %arg12: memref<!tpu.dma_semaphore, #tpu.memory_space<semaphore_mem>>) attributes {dimension_semantics = [#tpu.dimension_semantics<core_parallel>, #tpu.dimension_semantics<subcore_parallel>], iteration_bounds = array<i64: 2, 16>, scalar_prefetch = 0 : i64, scratch_operands = 8 : i64, tpu.core_type = #tpu.core_type<sc_vector_subcore>, window_params = [{transform_indices = #map}, {transform_indices = #map1}, {transform_indices = #map}]} {
    %mul3A = arith.constant 2 : i32
    %mul3A_0 = arith.muli %arg1, %mul3A : i32
    %add3A = arith.addi %mul3A_0, %arg0 : i32
    %mul3A_1 = arith.constant 25600 : i32
    %mul3A_2 = arith.muli %add3A, %mul3A_1 : i32
    %add3A_3 = arith.constant 0 : i32
    %add3A_4 = arith.addi %mul3A_2, %add3A_3 : i32
    %dma_start3A = arith.constant 0 : i32
    %dma_start3A_5 = arith.constant 0 : i32
    %dma_start3A_6 = tpu.memref_slice %arg5[%dma_start3A, %dma_start3A_5] : memref<2x512xi32, #tpu.memory_space<vmem>> -> memref<1x512xi32, #tpu.memory_space<vmem>>
    %dma_start3A_7 = tpu.memref_squeeze %dma_start3A_6 : memref<1x512xi32, #tpu.memory_space<vmem>> -> memref<512xi32, #tpu.memory_space<vmem>>
    %dma_start3A_8 = tpu.memref_slice %arg3[%add3A_4] : memref<819200xi32, #tpu.memory_space<hbm>> -> memref<512xi32, #tpu.memory_space<hbm>>
    %dma_start3A_9 = arith.constant 0 : i32
    %dma_start3A_10 = tpu.memref_slice %arg5[%dma_start3A, %dma_start3A_9] : memref<2x512xi32, #tpu.memory_space<vmem>> -> memref<1x512xi32, #tpu.memory_space<vmem>>
    %dma_start3A_11 = tpu.memref_squeeze %dma_start3A_10 : memref<1x512xi32, #tpu.memory_space<vmem>> -> memref<512xi32, #tpu.memory_space<vmem>>
    %dma_start3A_12 = tpu.memref_slice %arg3[%add3A_4] : memref<819200xi32, #tpu.memory_space<hbm>> -> memref<512xi32, #tpu.memory_space<hbm>>
    tpu.enqueue_dma source(%dma_start3A_12 : memref<512xi32, #tpu.memory_space<hbm>>) target(%dma_start3A_11 : memref<512xi32, #tpu.memory_space<vmem>>) target_semaphore(%arg7 : memref<!tpu.dma_semaphore, #tpu.memory_space<semaphore_mem>>)
    %add3A_13 = arith.constant 512 : i32
    %add3A_14 = arith.addi %mul3A_2, %add3A_13 : i32
    %dma_start3A_15 = arith.constant 1 : i32
    %dma_start3A_16 = arith.constant 0 : i32
    %dma_start3A_17 = tpu.memref_slice %arg5[%dma_start3A_15, %dma_start3A_16] : memref<2x512xi32, #tpu.memory_space<vmem>> -> memref<1x512xi32, #tpu.memory_space<vmem>>
    %dma_start3A_18 = tpu.memref_squeeze %dma_start3A_17 : memref<1x512xi32, #tpu.memory_space<vmem>> -> memref<512xi32, #tpu.memory_space<vmem>>
    %dma_start3A_19 = tpu.memref_slice %arg3[%add3A_14] : memref<819200xi32, #tpu.memory_space<hbm>> -> memref<512xi32, #tpu.memory_space<hbm>>
    %dma_start3A_20 = arith.constant 0 : i32
    %dma_start3A_21 = tpu.memref_slice %arg5[%dma_start3A_15, %dma_start3A_20] : memref<2x512xi32, #tpu.memory_space<vmem>> -> memref<1x512xi32, #tpu.memory_space<vmem>>
    %dma_start3A_22 = tpu.memref_squeeze %dma_start3A_21 : memref<1x512xi32, #tpu.memory_space<vmem>> -> memref<512xi32, #tpu.memory_space<vmem>>
    %dma_start3A_23 = tpu.memref_slice %arg3[%add3A_14] : memref<819200xi32, #tpu.memory_space<hbm>> -> memref<512xi32, #tpu.memory_space<hbm>>
    tpu.enqueue_dma source(%dma_start3A_23 : memref<512xi32, #tpu.memory_space<hbm>>) target(%dma_start3A_22 : memref<512xi32, #tpu.memory_space<vmem>>) target_semaphore(%arg8 : memref<!tpu.dma_semaphore, #tpu.memory_space<semaphore_mem>>)
    %add3A_24 = arith.constant 0 : i32
    %add3A_25 = arith.addi %mul3A_2, %add3A_24 : i32
    %dma_wait3A = arith.constant 0 : i32
    %dma_wait3A_26 = arith.constant 0 : i32
    %dma_wait3A_27 = tpu.memref_slice %arg5[%dma_wait3A, %dma_wait3A_26] : memref<2x512xi32, #tpu.memory_space<vmem>> -> memref<1x512xi32, #tpu.memory_space<vmem>>
    %dma_wait3A_28 = tpu.memref_squeeze %dma_wait3A_27 : memref<1x512xi32, #tpu.memory_space<vmem>> -> memref<512xi32, #tpu.memory_space<vmem>>
    %dma_wait3A_29 = tpu.memref_slice %arg3[%add3A_25] : memref<819200xi32, #tpu.memory_space<hbm>> -> memref<512xi32, #tpu.memory_space<hbm>>
    %dma_wait3A_30 = arith.constant 0 : i32
    %dma_wait3A_31 = tpu.memref_slice %arg5[%dma_wait3A, %dma_wait3A_30] : memref<2x512xi32, #tpu.memory_space<vmem>> -> memref<1x512xi32, #tpu.memory_space<vmem>>
    %dma_wait3A_32 = tpu.memref_squeeze %dma_wait3A_31 : memref<1x512xi32, #tpu.memory_space<vmem>> -> memref<512xi32, #tpu.memory_space<vmem>>
    %dma_wait3A_33 = tpu.memref_slice %arg3[%add3A_25] : memref<819200xi32, #tpu.memory_space<hbm>> -> memref<512xi32, #tpu.memory_space<hbm>>
    tpu.wait_dma2 semaphore(%arg7 : memref<!tpu.dma_semaphore, #tpu.memory_space<semaphore_mem>>) src(%dma_wait3A_33 : memref<512xi32, #tpu.memory_space<hbm>>) dst(%dma_wait3A_32 : memref<512xi32, #tpu.memory_space<vmem>>)
    %dma_start3A_34 = arith.constant 0 : i32
    %dma_start3A_35 = arith.constant 0 : i32
    %dma_start3A_36 = arith.constant 0 : i32
    %dma_start3A_37 = arith.constant 0 : i32
    %dma_start3A_38 = tpu.memref_slice %arg6[%dma_start3A_35, %dma_start3A_36, %dma_start3A_37] : memref<2x512x64xf32, #tpu.memory_space<vmem>> -> memref<1x512x64xf32, #tpu.memory_space<vmem>>
    %dma_start3A_39 = tpu.memref_squeeze %dma_start3A_38 : memref<1x512x64xf32, #tpu.memory_space<vmem>> -> memref<512x64xf32, #tpu.memory_space<vmem>>
    %dma_start3A_40 = arith.constant 0 : i32
    %dma_start3A_41 = tpu.memref_slice %arg5[%dma_start3A_34, %dma_start3A_40] : memref<2x512xi32, #tpu.memory_space<vmem>> -> memref<1x512xi32, #tpu.memory_space<vmem>>
    %dma_start3A_42 = tpu.memref_squeeze %dma_start3A_41 : memref<1x512xi32, #tpu.memory_space<vmem>> -> memref<512xi32, #tpu.memory_space<vmem>>
    %dma_start3A_43 = arith.constant 0 : i32
    %dma_start3A_44 = arith.constant 0 : i32
    %dma_start3A_45 = tpu.memref_slice %arg2[%dma_start3A_43, %dma_start3A_44] : memref<1000001x64xf32, #tpu.memory_space<hbm>> -> memref<1000001x64xf32, #tpu.memory_space<hbm>>
    tpu.enqueue_indirect_dma source(%dma_start3A_45 : memref<1000001x64xf32, #tpu.memory_space<hbm>>) target(%dma_start3A_39 : memref<512x64xf32, #tpu.memory_space<vmem>>) offsets(%dma_start3A_42 : memref<512xi32, #tpu.memory_space<vmem>>) semaphore(%arg9 : memref<!tpu.dma_semaphore, #tpu.memory_space<semaphore_mem>>)
    %add3A_46 = arith.constant 512 : i32
    %add3A_47 = arith.addi %mul3A_2, %add3A_46 : i32
    %dma_wait3A_48 = arith.constant 1 : i32
    %dma_wait3A_49 = arith.constant 0 : i32
    %dma_wait3A_50 = tpu.memref_slice %arg5[%dma_wait3A_48, %dma_wait3A_49] : memref<2x512xi32, #tpu.memory_space<vmem>> -> memref<1x512xi32, #tpu.memory_space<vmem>>
    %dma_wait3A_51 = tpu.memref_squeeze %dma_wait3A_50 : memref<1x512xi32, #tpu.memory_space<vmem>> -> memref<512xi32, #tpu.memory_space<vmem>>
    %dma_wait3A_52 = tpu.memref_slice %arg3[%add3A_47] : memref<819200xi32, #tpu.memory_space<hbm>> -> memref<512xi32, #tpu.memory_space<hbm>>
    %dma_wait3A_53 = arith.constant 0 : i32
    %dma_wait3A_54 = tpu.memref_slice %arg5[%dma_wait3A_48, %dma_wait3A_53] : memref<2x512xi32, #tpu.memory_space<vmem>> -> memref<1x512xi32, #tpu.memory_space<vmem>>
    %dma_wait3A_55 = tpu.memref_squeeze %dma_wait3A_54 : memref<1x512xi32, #tpu.memory_space<vmem>> -> memref<512xi32, #tpu.memory_space<vmem>>
    %dma_wait3A_56 = tpu.memref_slice %arg3[%add3A_47] : memref<819200xi32, #tpu.memory_space<hbm>> -> memref<512xi32, #tpu.memory_space<hbm>>
    tpu.wait_dma2 semaphore(%arg8 : memref<!tpu.dma_semaphore, #tpu.memory_space<semaphore_mem>>) src(%dma_wait3A_56 : memref<512xi32, #tpu.memory_space<hbm>>) dst(%dma_wait3A_55 : memref<512xi32, #tpu.memory_space<vmem>>)
    %dma_start3A_57 = arith.constant 1 : i32
    %dma_start3A_58 = arith.constant 1 : i32
    %dma_start3A_59 = arith.constant 0 : i32
    %dma_start3A_60 = arith.constant 0 : i32
    %dma_start3A_61 = tpu.memref_slice %arg6[%dma_start3A_58, %dma_start3A_59, %dma_start3A_60] : memref<2x512x64xf32, #tpu.memory_space<vmem>> -> memref<1x512x64xf32, #tpu.memory_space<vmem>>
    %dma_start3A_62 = tpu.memref_squeeze %dma_start3A_61 : memref<1x512x64xf32, #tpu.memory_space<vmem>> -> memref<512x64xf32, #tpu.memory_space<vmem>>
    %dma_start3A_63 = arith.constant 0 : i32
    %dma_start3A_64 = tpu.memref_slice %arg5[%dma_start3A_57, %dma_start3A_63] : memref<2x512xi32, #tpu.memory_space<vmem>> -> memref<1x512xi32, #tpu.memory_space<vmem>>
    %dma_start3A_65 = tpu.memref_squeeze %dma_start3A_64 : memref<1x512xi32, #tpu.memory_space<vmem>> -> memref<512xi32, #tpu.memory_space<vmem>>
    %dma_start3A_66 = arith.constant 0 : i32
    %dma_start3A_67 = arith.constant 0 : i32
    %dma_start3A_68 = tpu.memref_slice %arg2[%dma_start3A_66, %dma_start3A_67] : memref<1000001x64xf32, #tpu.memory_space<hbm>> -> memref<1000001x64xf32, #tpu.memory_space<hbm>>
    tpu.enqueue_indirect_dma source(%dma_start3A_68 : memref<1000001x64xf32, #tpu.memory_space<hbm>>) target(%dma_start3A_62 : memref<512x64xf32, #tpu.memory_space<vmem>>) offsets(%dma_start3A_65 : memref<512xi32, #tpu.memory_space<vmem>>) semaphore(%arg10 : memref<!tpu.dma_semaphore, #tpu.memory_space<semaphore_mem>>)
    %scan3A = arith.constant 0 : i32
    %scan3A_69 = arith.constant 0 : i32
    %scan3A_70 = arith.constant 24 : i32
    %scan3A_71 = arith.addi %scan3A_69, %scan3A_70 : i32
    %scan3A_72 = arith.constant 1 : i32
    scf.for %scan3A_158 = %scan3A_69 to %scan3A_71 step %scan3A_72  : i32 {
      %mul3A_159 = arith.constant 2 : i32
      %mul3A_160 = arith.muli %mul3A_159, %scan3A_158 : i32
      %add3A_161 = arith.constant 0 : i32
      %add3A_162 = arith.addi %mul3A_160, %add3A_161 : i32
      %dma_wait3A_163 = arith.constant 0 : i32
      %dma_wait3A_164 = arith.constant 0 : i32
      %dma_wait3A_165 = arith.constant 0 : i32
      %dma_wait3A_166 = arith.constant 0 : i32
      %dma_wait3A_167 = tpu.memref_slice %arg6[%dma_wait3A_164, %dma_wait3A_165, %dma_wait3A_166] : memref<2x512x64xf32, #tpu.memory_space<vmem>> -> memref<1x512x64xf32, #tpu.memory_space<vmem>>
      %dma_wait3A_168 = tpu.memref_squeeze %dma_wait3A_167 : memref<1x512x64xf32, #tpu.memory_space<vmem>> -> memref<512x64xf32, #tpu.memory_space<vmem>>
      %dma_wait3A_169 = arith.constant 0 : i32
      %dma_wait3A_170 = tpu.memref_slice %arg5[%dma_wait3A_163, %dma_wait3A_169] : memref<2x512xi32, #tpu.memory_space<vmem>> -> memref<1x512xi32, #tpu.memory_space<vmem>>
      %dma_wait3A_171 = tpu.memref_squeeze %dma_wait3A_170 : memref<1x512xi32, #tpu.memory_space<vmem>> -> memref<512xi32, #tpu.memory_space<vmem>>
      %dma_wait3A_172 = arith.constant 0 : i32
      %dma_wait3A_173 = arith.constant 0 : i32
      %dma_wait3A_174 = tpu.memref_slice %arg2[%dma_wait3A_172, %dma_wait3A_173] : memref<1000001x64xf32, #tpu.memory_space<hbm>> -> memref<1000001x64xf32, #tpu.memory_space<hbm>>
      tpu.wait_indirect_dma semaphore(%arg9 : memref<!tpu.dma_semaphore, #tpu.memory_space<semaphore_mem>>) src(%dma_wait3A_174 : memref<1000001x64xf32, #tpu.memory_space<hbm>>) dst(%dma_wait3A_168 : memref<512x64xf32, #tpu.memory_space<vmem>>)
      %mul3A_175 = arith.constant 512 : i32
      %mul3A_176 = arith.muli %add3A_162, %mul3A_175 : i32
      %add3A_177 = arith.addi %mul3A_2, %mul3A_176 : i32
      %dma_start3A_178 = arith.constant 0 : i32
      %dma_start3A_179 = arith.constant 0 : i32
      %dma_start3A_180 = arith.constant 0 : i32
      %dma_start3A_181 = tpu.memref_slice %arg6[%dma_start3A_178, %dma_start3A_179, %dma_start3A_180] : memref<2x512x64xf32, #tpu.memory_space<vmem>> -> memref<1x512x64xf32, #tpu.memory_space<vmem>>
      %dma_start3A_182 = tpu.memref_squeeze %dma_start3A_181 : memref<1x512x64xf32, #tpu.memory_space<vmem>> -> memref<512x64xf32, #tpu.memory_space<vmem>>
      %dma_start3A_183 = arith.constant 0 : i32
      %dma_start3A_184 = tpu.memref_slice %arg4[%add3A_177, %dma_start3A_183] : memref<819200x64xf32, #tpu.memory_space<hbm>> -> memref<512x64xf32, #tpu.memory_space<hbm>>
      %dma_start3A_185 = arith.constant 0 : i32
      %dma_start3A_186 = tpu.memref_slice %arg4[%add3A_177, %dma_start3A_185] : memref<819200x64xf32, #tpu.memory_space<hbm>> -> memref<512x64xf32, #tpu.memory_space<hbm>>
      %dma_start3A_187 = arith.constant 0 : i32
      %dma_start3A_188 = arith.constant 0 : i32
      %dma_start3A_189 = tpu.memref_slice %arg6[%dma_start3A_178, %dma_start3A_187, %dma_start3A_188] : memref<2x512x64xf32, #tpu.memory_space<vmem>> -> memref<1x512x64xf32, #tpu.memory_space<vmem>>
      %dma_start3A_190 = tpu.memref_squeeze %dma_start3A_189 : memref<1x512x64xf32, #tpu.memory_space<vmem>> -> memref<512x64xf32, #tpu.memory_space<vmem>>
      tpu.enqueue_dma source(%dma_start3A_190 : memref<512x64xf32, #tpu.memory_space<vmem>>) target(%dma_start3A_186 : memref<512x64xf32, #tpu.memory_space<hbm>>) target_semaphore(%arg11 : memref<!tpu.dma_semaphore, #tpu.memory_space<semaphore_mem>>)
      %add3A_191 = arith.constant 2 : i32
      %add3A_192 = arith.addi %add3A_162, %add3A_191 : i32
      %mul3A_193 = arith.constant 512 : i32
      %mul3A_194 = arith.muli %add3A_192, %mul3A_193 : i32
      %add3A_195 = arith.addi %mul3A_2, %mul3A_194 : i32
      %dma_start3A_196 = arith.constant 0 : i32
      %dma_start3A_197 = arith.constant 0 : i32
      %dma_start3A_198 = tpu.memref_slice %arg5[%dma_start3A_196, %dma_start3A_197] : memref<2x512xi32, #tpu.memory_space<vmem>> -> memref<1x512xi32, #tpu.memory_space<vmem>>
      %dma_start3A_199 = tpu.memref_squeeze %dma_start3A_198 : memref<1x512xi32, #tpu.memory_space<vmem>> -> memref<512xi32, #tpu.memory_space<vmem>>
      %dma_start3A_200 = tpu.memref_slice %arg3[%add3A_195] : memref<819200xi32, #tpu.memory_space<hbm>> -> memref<512xi32, #tpu.memory_space<hbm>>
      %dma_start3A_201 = arith.constant 0 : i32
      %dma_start3A_202 = tpu.memref_slice %arg5[%dma_start3A_196, %dma_start3A_201] : memref<2x512xi32, #tpu.memory_space<vmem>> -> memref<1x512xi32, #tpu.memory_space<vmem>>
      %dma_start3A_203 = tpu.memref_squeeze %dma_start3A_202 : memref<1x512xi32, #tpu.memory_space<vmem>> -> memref<512xi32, #tpu.memory_space<vmem>>
      %dma_start3A_204 = tpu.memref_slice %arg3[%add3A_195] : memref<819200xi32, #tpu.memory_space<hbm>> -> memref<512xi32, #tpu.memory_space<hbm>>
      tpu.enqueue_dma source(%dma_start3A_204 : memref<512xi32, #tpu.memory_space<hbm>>) target(%dma_start3A_203 : memref<512xi32, #tpu.memory_space<vmem>>) target_semaphore(%arg7 : memref<!tpu.dma_semaphore, #tpu.memory_space<semaphore_mem>>)
      %mul3A_205 = arith.constant 512 : i32
      %mul3A_206 = arith.muli %add3A_162, %mul3A_205 : i32
      %add3A_207 = arith.addi %mul3A_2, %mul3A_206 : i32
      %dma_wait3A_208 = arith.constant 0 : i32
      %dma_wait3A_209 = arith.constant 0 : i32
      %dma_wait3A_210 = arith.constant 0 : i32
      %dma_wait3A_211 = tpu.memref_slice %arg6[%dma_wait3A_208, %dma_wait3A_209, %dma_wait3A_210] : memref<2x512x64xf32, #tpu.memory_space<vmem>> -> memref<1x512x64xf32, #tpu.memory_space<vmem>>
      %dma_wait3A_212 = tpu.memref_squeeze %dma_wait3A_211 : memref<1x512x64xf32, #tpu.memory_space<vmem>> -> memref<512x64xf32, #tpu.memory_space<vmem>>
      %dma_wait3A_213 = arith.constant 0 : i32
      %dma_wait3A_214 = tpu.memref_slice %arg4[%add3A_207, %dma_wait3A_213] : memref<819200x64xf32, #tpu.memory_space<hbm>> -> memref<512x64xf32, #tpu.memory_space<hbm>>
      %dma_wait3A_215 = arith.constant 0 : i32
      %dma_wait3A_216 = tpu.memref_slice %arg4[%add3A_207, %dma_wait3A_215] : memref<819200x64xf32, #tpu.memory_space<hbm>> -> memref<512x64xf32, #tpu.memory_space<hbm>>
      %dma_wait3A_217 = arith.constant 0 : i32
      %dma_wait3A_218 = arith.constant 0 : i32
      %dma_wait3A_219 = tpu.memref_slice %arg6[%dma_wait3A_208, %dma_wait3A_217, %dma_wait3A_218] : memref<2x512x64xf32, #tpu.memory_space<vmem>> -> memref<1x512x64xf32, #tpu.memory_space<vmem>>
      %dma_wait3A_220 = tpu.memref_squeeze %dma_wait3A_219 : memref<1x512x64xf32, #tpu.memory_space<vmem>> -> memref<512x64xf32, #tpu.memory_space<vmem>>
      tpu.wait_dma2 semaphore(%arg11 : memref<!tpu.dma_semaphore, #tpu.memory_space<semaphore_mem>>) src(%dma_wait3A_220 : memref<512x64xf32, #tpu.memory_space<vmem>>) dst(%dma_wait3A_216 : memref<512x64xf32, #tpu.memory_space<hbm>>)
      %add3A_221 = arith.constant 2 : i32
      %add3A_222 = arith.addi %add3A_162, %add3A_221 : i32
      %mul3A_223 = arith.constant 512 : i32
      %mul3A_224 = arith.muli %add3A_222, %mul3A_223 : i32
      %add3A_225 = arith.addi %mul3A_2, %mul3A_224 : i32
      %dma_wait3A_226 = arith.constant 0 : i32
      %dma_wait3A_227 = arith.constant 0 : i32
      %dma_wait3A_228 = tpu.memref_slice %arg5[%dma_wait3A_226, %dma_wait3A_227] : memref<2x512xi32, #tpu.memory_space<vmem>> -> memref<1x512xi32, #tpu.memory_space<vmem>>
      %dma_wait3A_229 = tpu.memref_squeeze %dma_wait3A_228 : memref<1x512xi32, #tpu.memory_space<vmem>> -> memref<512xi32, #tpu.memory_space<vmem>>
      %dma_wait3A_230 = tpu.memref_slice %arg3[%add3A_225] : memref<819200xi32, #tpu.memory_space<hbm>> -> memref<512xi32, #tpu.memory_space<hbm>>
      %dma_wait3A_231 = arith.constant 0 : i32
      %dma_wait3A_232 = tpu.memref_slice %arg5[%dma_wait3A_226, %dma_wait3A_231] : memref<2x512xi32, #tpu.memory_space<vmem>> -> memref<1x512xi32, #tpu.memory_space<vmem>>
      %dma_wait3A_233 = tpu.memref_squeeze %dma_wait3A_232 : memref<1x512xi32, #tpu.memory_space<vmem>> -> memref<512xi32, #tpu.memory_space<vmem>>
      %dma_wait3A_234 = tpu.memref_slice %arg3[%add3A_225] : memref<819200xi32, #tpu.memory_space<hbm>> -> memref<512xi32, #tpu.memory_space<hbm>>
      tpu.wait_dma2 semaphore(%arg7 : memref<!tpu.dma_semaphore, #tpu.memory_space<semaphore_mem>>) src(%dma_wait3A_234 : memref<512xi32, #tpu.memory_space<hbm>>) dst(%dma_wait3A_233 : memref<512xi32, #tpu.memory_space<vmem>>)
      %dma_start3A_235 = arith.constant 0 : i32
      %dma_start3A_236 = arith.constant 0 : i32
      %dma_start3A_237 = arith.constant 0 : i32
      %dma_start3A_238 = arith.constant 0 : i32
      %dma_start3A_239 = tpu.memref_slice %arg6[%dma_start3A_236, %dma_start3A_237, %dma_start3A_238] : memref<2x512x64xf32, #tpu.memory_space<vmem>> -> memref<1x512x64xf32, #tpu.memory_space<vmem>>
      %dma_start3A_240 = tpu.memref_squeeze %dma_start3A_239 : memref<1x512x64xf32, #tpu.memory_space<vmem>> -> memref<512x64xf32, #tpu.memory_space<vmem>>
      %dma_start3A_241 = arith.constant 0 : i32
      %dma_start3A_242 = tpu.memref_slice %arg5[%dma_start3A_235, %dma_start3A_241] : memref<2x512xi32, #tpu.memory_space<vmem>> -> memref<1x512xi32, #tpu.memory_space<vmem>>
      %dma_start3A_243 = tpu.memref_squeeze %dma_start3A_242 : memref<1x512xi32, #tpu.memory_space<vmem>> -> memref<512xi32, #tpu.memory_space<vmem>>
      %dma_start3A_244 = arith.constant 0 : i32
      %dma_start3A_245 = arith.constant 0 : i32
      %dma_start3A_246 = tpu.memref_slice %arg2[%dma_start3A_244, %dma_start3A_245] : memref<1000001x64xf32, #tpu.memory_space<hbm>> -> memref<1000001x64xf32, #tpu.memory_space<hbm>>
      tpu.enqueue_indirect_dma source(%dma_start3A_246 : memref<1000001x64xf32, #tpu.memory_space<hbm>>) target(%dma_start3A_240 : memref<512x64xf32, #tpu.memory_space<vmem>>) offsets(%dma_start3A_243 : memref<512xi32, #tpu.memory_space<vmem>>) semaphore(%arg9 : memref<!tpu.dma_semaphore, #tpu.memory_space<semaphore_mem>>)
      %mul3A_247 = arith.constant 2 : i32
      %mul3A_248 = arith.muli %mul3A_247, %scan3A_158 : i32
      %add3A_249 = arith.constant 1 : i32
      %add3A_250 = arith.addi %mul3A_248, %add3A_249 : i32
      %dma_wait3A_251 = arith.constant 1 : i32
      %dma_wait3A_252 = arith.constant 1 : i32
      %dma_wait3A_253 = arith.constant 0 : i32
      %dma_wait3A_254 = arith.constant 0 : i32
      %dma_wait3A_255 = tpu.memref_slice %arg6[%dma_wait3A_252, %dma_wait3A_253, %dma_wait3A_254] : memref<2x512x64xf32, #tpu.memory_space<vmem>> -> memref<1x512x64xf32, #tpu.memory_space<vmem>>
      %dma_wait3A_256 = tpu.memref_squeeze %dma_wait3A_255 : memref<1x512x64xf32, #tpu.memory_space<vmem>> -> memref<512x64xf32, #tpu.memory_space<vmem>>
      %dma_wait3A_257 = arith.constant 0 : i32
      %dma_wait3A_258 = tpu.memref_slice %arg5[%dma_wait3A_251, %dma_wait3A_257] : memref<2x512xi32, #tpu.memory_space<vmem>> -> memref<1x512xi32, #tpu.memory_space<vmem>>
      %dma_wait3A_259 = tpu.memref_squeeze %dma_wait3A_258 : memref<1x512xi32, #tpu.memory_space<vmem>> -> memref<512xi32, #tpu.memory_space<vmem>>
      %dma_wait3A_260 = arith.constant 0 : i32
      %dma_wait3A_261 = arith.constant 0 : i32
      %dma_wait3A_262 = tpu.memref_slice %arg2[%dma_wait3A_260, %dma_wait3A_261] : memref<1000001x64xf32, #tpu.memory_space<hbm>> -> memref<1000001x64xf32, #tpu.memory_space<hbm>>
      tpu.wait_indirect_dma semaphore(%arg10 : memref<!tpu.dma_semaphore, #tpu.memory_space<semaphore_mem>>) src(%dma_wait3A_262 : memref<1000001x64xf32, #tpu.memory_space<hbm>>) dst(%dma_wait3A_256 : memref<512x64xf32, #tpu.memory_space<vmem>>)
      %mul3A_263 = arith.constant 512 : i32
      %mul3A_264 = arith.muli %add3A_250, %mul3A_263 : i32
      %add3A_265 = arith.addi %mul3A_2, %mul3A_264 : i32
      %dma_start3A_266 = arith.constant 1 : i32
      %dma_start3A_267 = arith.constant 0 : i32
      %dma_start3A_268 = arith.constant 0 : i32
      %dma_start3A_269 = tpu.memref_slice %arg6[%dma_start3A_266, %dma_start3A_267, %dma_start3A_268] : memref<2x512x64xf32, #tpu.memory_space<vmem>> -> memref<1x512x64xf32, #tpu.memory_space<vmem>>
      %dma_start3A_270 = tpu.memref_squeeze %dma_start3A_269 : memref<1x512x64xf32, #tpu.memory_space<vmem>> -> memref<512x64xf32, #tpu.memory_space<vmem>>
      %dma_start3A_271 = arith.constant 0 : i32
      %dma_start3A_272 = tpu.memref_slice %arg4[%add3A_265, %dma_start3A_271] : memref<819200x64xf32, #tpu.memory_space<hbm>> -> memref<512x64xf32, #tpu.memory_space<hbm>>
      %dma_start3A_273 = arith.constant 0 : i32
      %dma_start3A_274 = tpu.memref_slice %arg4[%add3A_265, %dma_start3A_273] : memref<819200x64xf32, #tpu.memory_space<hbm>> -> memref<512x64xf32, #tpu.memory_space<hbm>>
      %dma_start3A_275 = arith.constant 0 : i32
      %dma_start3A_276 = arith.constant 0 : i32
      %dma_start3A_277 = tpu.memref_slice %arg6[%dma_start3A_266, %dma_start3A_275, %dma_start3A_276] : memref<2x512x64xf32, #tpu.memory_space<vmem>> -> memref<1x512x64xf32, #tpu.memory_space<vmem>>
      %dma_start3A_278 = tpu.memref_squeeze %dma_start3A_277 : memref<1x512x64xf32, #tpu.memory_space<vmem>> -> memref<512x64xf32, #tpu.memory_space<vmem>>
      tpu.enqueue_dma source(%dma_start3A_278 : memref<512x64xf32, #tpu.memory_space<vmem>>) target(%dma_start3A_274 : memref<512x64xf32, #tpu.memory_space<hbm>>) target_semaphore(%arg12 : memref<!tpu.dma_semaphore, #tpu.memory_space<semaphore_mem>>)
      %add3A_279 = arith.constant 2 : i32
      %add3A_280 = arith.addi %add3A_250, %add3A_279 : i32
      %mul3A_281 = arith.constant 512 : i32
      %mul3A_282 = arith.muli %add3A_280, %mul3A_281 : i32
      %add3A_283 = arith.addi %mul3A_2, %mul3A_282 : i32
      %dma_start3A_284 = arith.constant 1 : i32
      %dma_start3A_285 = arith.constant 0 : i32
      %dma_start3A_286 = tpu.memref_slice %arg5[%dma_start3A_284, %dma_start3A_285] : memref<2x512xi32, #tpu.memory_space<vmem>> -> memref<1x512xi32, #tpu.memory_space<vmem>>
      %dma_start3A_287 = tpu.memref_squeeze %dma_start3A_286 : memref<1x512xi32, #tpu.memory_space<vmem>> -> memref<512xi32, #tpu.memory_space<vmem>>
      %dma_start3A_288 = tpu.memref_slice %arg3[%add3A_283] : memref<819200xi32, #tpu.memory_space<hbm>> -> memref<512xi32, #tpu.memory_space<hbm>>
      %dma_start3A_289 = arith.constant 0 : i32
      %dma_start3A_290 = tpu.memref_slice %arg5[%dma_start3A_284, %dma_start3A_289] : memref<2x512xi32, #tpu.memory_space<vmem>> -> memref<1x512xi32, #tpu.memory_space<vmem>>
      %dma_start3A_291 = tpu.memref_squeeze %dma_start3A_290 : memref<1x512xi32, #tpu.memory_space<vmem>> -> memref<512xi32, #tpu.memory_space<vmem>>
      %dma_start3A_292 = tpu.memref_slice %arg3[%add3A_283] : memref<819200xi32, #tpu.memory_space<hbm>> -> memref<512xi32, #tpu.memory_space<hbm>>
      tpu.enqueue_dma source(%dma_start3A_292 : memref<512xi32, #tpu.memory_space<hbm>>) target(%dma_start3A_291 : memref<512xi32, #tpu.memory_space<vmem>>) target_semaphore(%arg8 : memref<!tpu.dma_semaphore, #tpu.memory_space<semaphore_mem>>)
      %mul3A_293 = arith.constant 512 : i32
      %mul3A_294 = arith.muli %add3A_250, %mul3A_293 : i32
      %add3A_295 = arith.addi %mul3A_2, %mul3A_294 : i32
      %dma_wait3A_296 = arith.constant 1 : i32
      %dma_wait3A_297 = arith.constant 0 : i32
      %dma_wait3A_298 = arith.constant 0 : i32
      %dma_wait3A_299 = tpu.memref_slice %arg6[%dma_wait3A_296, %dma_wait3A_297, %dma_wait3A_298] : memref<2x512x64xf32, #tpu.memory_space<vmem>> -> memref<1x512x64xf32, #tpu.memory_space<vmem>>
      %dma_wait3A_300 = tpu.memref_squeeze %dma_wait3A_299 : memref<1x512x64xf32, #tpu.memory_space<vmem>> -> memref<512x64xf32, #tpu.memory_space<vmem>>
      %dma_wait3A_301 = arith.constant 0 : i32
      %dma_wait3A_302 = tpu.memref_slice %arg4[%add3A_295, %dma_wait3A_301] : memref<819200x64xf32, #tpu.memory_space<hbm>> -> memref<512x64xf32, #tpu.memory_space<hbm>>
      %dma_wait3A_303 = arith.constant 0 : i32
      %dma_wait3A_304 = tpu.memref_slice %arg4[%add3A_295, %dma_wait3A_303] : memref<819200x64xf32, #tpu.memory_space<hbm>> -> memref<512x64xf32, #tpu.memory_space<hbm>>
      %dma_wait3A_305 = arith.constant 0 : i32
      %dma_wait3A_306 = arith.constant 0 : i32
      %dma_wait3A_307 = tpu.memref_slice %arg6[%dma_wait3A_296, %dma_wait3A_305, %dma_wait3A_306] : memref<2x512x64xf32, #tpu.memory_space<vmem>> -> memref<1x512x64xf32, #tpu.memory_space<vmem>>
      %dma_wait3A_308 = tpu.memref_squeeze %dma_wait3A_307 : memref<1x512x64xf32, #tpu.memory_space<vmem>> -> memref<512x64xf32, #tpu.memory_space<vmem>>
      tpu.wait_dma2 semaphore(%arg12 : memref<!tpu.dma_semaphore, #tpu.memory_space<semaphore_mem>>) src(%dma_wait3A_308 : memref<512x64xf32, #tpu.memory_space<vmem>>) dst(%dma_wait3A_304 : memref<512x64xf32, #tpu.memory_space<hbm>>)
      %add3A_309 = arith.constant 2 : i32
      %add3A_310 = arith.addi %add3A_250, %add3A_309 : i32
      %mul3A_311 = arith.constant 512 : i32
      %mul3A_312 = arith.muli %add3A_310, %mul3A_311 : i32
      %add3A_313 = arith.addi %mul3A_2, %mul3A_312 : i32
      %dma_wait3A_314 = arith.constant 1 : i32
      %dma_wait3A_315 = arith.constant 0 : i32
      %dma_wait3A_316 = tpu.memref_slice %arg5[%dma_wait3A_314, %dma_wait3A_315] : memref<2x512xi32, #tpu.memory_space<vmem>> -> memref<1x512xi32, #tpu.memory_space<vmem>>
      %dma_wait3A_317 = tpu.memref_squeeze %dma_wait3A_316 : memref<1x512xi32, #tpu.memory_space<vmem>> -> memref<512xi32, #tpu.memory_space<vmem>>
      %dma_wait3A_318 = tpu.memref_slice %arg3[%add3A_313] : memref<819200xi32, #tpu.memory_space<hbm>> -> memref<512xi32, #tpu.memory_space<hbm>>
      %dma_wait3A_319 = arith.constant 0 : i32
      %dma_wait3A_320 = tpu.memref_slice %arg5[%dma_wait3A_314, %dma_wait3A_319] : memref<2x512xi32, #tpu.memory_space<vmem>> -> memref<1x512xi32, #tpu.memory_space<vmem>>
      %dma_wait3A_321 = tpu.memref_squeeze %dma_wait3A_320 : memref<1x512xi32, #tpu.memory_space<vmem>> -> memref<512xi32, #tpu.memory_space<vmem>>
      %dma_wait3A_322 = tpu.memref_slice %arg3[%add3A_313] : memref<819200xi32, #tpu.memory_space<hbm>> -> memref<512xi32, #tpu.memory_space<hbm>>
      tpu.wait_dma2 semaphore(%arg8 : memref<!tpu.dma_semaphore, #tpu.memory_space<semaphore_mem>>) src(%dma_wait3A_322 : memref<512xi32, #tpu.memory_space<hbm>>) dst(%dma_wait3A_321 : memref<512xi32, #tpu.memory_space<vmem>>)
      %dma_start3A_323 = arith.constant 1 : i32
      %dma_start3A_324 = arith.constant 1 : i32
      %dma_start3A_325 = arith.constant 0 : i32
      %dma_start3A_326 = arith.constant 0 : i32
      %dma_start3A_327 = tpu.memref_slice %arg6[%dma_start3A_324, %dma_start3A_325, %dma_start3A_326] : memref<2x512x64xf32, #tpu.memory_space<vmem>> -> memref<1x512x64xf32, #tpu.memory_space<vmem>>
      %dma_start3A_328 = tpu.memref_squeeze %dma_start3A_327 : memref<1x512x64xf32, #tpu.memory_space<vmem>> -> memref<512x64xf32, #tpu.memory_space<vmem>>
      %dma_start3A_329 = arith.constant 0 : i32
      %dma_start3A_330 = tpu.memref_slice %arg5[%dma_start3A_323, %dma_start3A_329] : memref<2x512xi32, #tpu.memory_space<vmem>> -> memref<1x512xi32, #tpu.memory_space<vmem>>
      %dma_start3A_331 = tpu.memref_squeeze %dma_start3A_330 : memref<1x512xi32, #tpu.memory_space<vmem>> -> memref<512xi32, #tpu.memory_space<vmem>>
      %dma_start3A_332 = arith.constant 0 : i32
      %dma_start3A_333 = arith.constant 0 : i32
      %dma_start3A_334 = tpu.memref_slice %arg2[%dma_start3A_332, %dma_start3A_333] : memref<1000001x64xf32, #tpu.memory_space<hbm>> -> memref<1000001x64xf32, #tpu.memory_space<hbm>>
      tpu.enqueue_indirect_dma source(%dma_start3A_334 : memref<1000001x64xf32, #tpu.memory_space<hbm>>) target(%dma_start3A_328 : memref<512x64xf32, #tpu.memory_space<vmem>>) offsets(%dma_start3A_331 : memref<512xi32, #tpu.memory_space<vmem>>) semaphore(%arg10 : memref<!tpu.dma_semaphore, #tpu.memory_space<semaphore_mem>>)
    }
    %scan3A_73 = arith.constant 24 : i32
    %dma_wait3A_74 = arith.constant 0 : i32
    %dma_wait3A_75 = arith.constant 0 : i32
    %dma_wait3A_76 = arith.constant 0 : i32
    %dma_wait3A_77 = arith.constant 0 : i32
    %dma_wait3A_78 = tpu.memref_slice %arg6[%dma_wait3A_75, %dma_wait3A_76, %dma_wait3A_77] : memref<2x512x64xf32, #tpu.memory_space<vmem>> -> memref<1x512x64xf32, #tpu.memory_space<vmem>>
    %dma_wait3A_79 = tpu.memref_squeeze %dma_wait3A_78 : memref<1x512x64xf32, #tpu.memory_space<vmem>> -> memref<512x64xf32, #tpu.memory_space<vmem>>
    %dma_wait3A_80 = arith.constant 0 : i32
    %dma_wait3A_81 = tpu.memref_slice %arg5[%dma_wait3A_74, %dma_wait3A_80] : memref<2x512xi32, #tpu.memory_space<vmem>> -> memref<1x512xi32, #tpu.memory_space<vmem>>
    %dma_wait3A_82 = tpu.memref_squeeze %dma_wait3A_81 : memref<1x512xi32, #tpu.memory_space<vmem>> -> memref<512xi32, #tpu.memory_space<vmem>>
    %dma_wait3A_83 = arith.constant 0 : i32
    %dma_wait3A_84 = arith.constant 0 : i32
    %dma_wait3A_85 = tpu.memref_slice %arg2[%dma_wait3A_83, %dma_wait3A_84] : memref<1000001x64xf32, #tpu.memory_space<hbm>> -> memref<1000001x64xf32, #tpu.memory_space<hbm>>
    tpu.wait_indirect_dma semaphore(%arg9 : memref<!tpu.dma_semaphore, #tpu.memory_space<semaphore_mem>>) src(%dma_wait3A_85 : memref<1000001x64xf32, #tpu.memory_space<hbm>>) dst(%dma_wait3A_79 : memref<512x64xf32, #tpu.memory_space<vmem>>)
    %add3A_86 = arith.constant 24576 : i32
    %add3A_87 = arith.addi %mul3A_2, %add3A_86 : i32
    %dma_start3A_88 = arith.constant 0 : i32
    %dma_start3A_89 = arith.constant 0 : i32
    %dma_start3A_90 = arith.constant 0 : i32
    %dma_start3A_91 = tpu.memref_slice %arg6[%dma_start3A_88, %dma_start3A_89, %dma_start3A_90] : memref<2x512x64xf32, #tpu.memory_space<vmem>> -> memref<1x512x64xf32, #tpu.memory_space<vmem>>
    %dma_start3A_92 = tpu.memref_squeeze %dma_start3A_91 : memref<1x512x64xf32, #tpu.memory_space<vmem>> -> memref<512x64xf32, #tpu.memory_space<vmem>>
    %dma_start3A_93 = arith.constant 0 : i32
    %dma_start3A_94 = tpu.memref_slice %arg4[%add3A_87, %dma_start3A_93] : memref<819200x64xf32, #tpu.memory_space<hbm>> -> memref<512x64xf32, #tpu.memory_space<hbm>>
    %dma_start3A_95 = arith.constant 0 : i32
    %dma_start3A_96 = tpu.memref_slice %arg4[%add3A_87, %dma_start3A_95] : memref<819200x64xf32, #tpu.memory_space<hbm>> -> memref<512x64xf32, #tpu.memory_space<hbm>>
    %dma_start3A_97 = arith.constant 0 : i32
    %dma_start3A_98 = arith.constant 0 : i32
    %dma_start3A_99 = tpu.memref_slice %arg6[%dma_start3A_88, %dma_start3A_97, %dma_start3A_98] : memref<2x512x64xf32, #tpu.memory_space<vmem>> -> memref<1x512x64xf32, #tpu.memory_space<vmem>>
    %dma_start3A_100 = tpu.memref_squeeze %dma_start3A_99 : memref<1x512x64xf32, #tpu.memory_space<vmem>> -> memref<512x64xf32, #tpu.memory_space<vmem>>
    tpu.enqueue_dma source(%dma_start3A_100 : memref<512x64xf32, #tpu.memory_space<vmem>>) target(%dma_start3A_96 : memref<512x64xf32, #tpu.memory_space<hbm>>) target_semaphore(%arg11 : memref<!tpu.dma_semaphore, #tpu.memory_space<semaphore_mem>>)
    %dma_wait3A_101 = arith.constant 1 : i32
    %dma_wait3A_102 = arith.constant 1 : i32
    %dma_wait3A_103 = arith.constant 0 : i32
    %dma_wait3A_104 = arith.constant 0 : i32
    %dma_wait3A_105 = tpu.memref_slice %arg6[%dma_wait3A_102, %dma_wait3A_103, %dma_wait3A_104] : memref<2x512x64xf32, #tpu.memory_space<vmem>> -> memref<1x512x64xf32, #tpu.memory_space<vmem>>
    %dma_wait3A_106 = tpu.memref_squeeze %dma_wait3A_105 : memref<1x512x64xf32, #tpu.memory_space<vmem>> -> memref<512x64xf32, #tpu.memory_space<vmem>>
    %dma_wait3A_107 = arith.constant 0 : i32
    %dma_wait3A_108 = tpu.memref_slice %arg5[%dma_wait3A_101, %dma_wait3A_107] : memref<2x512xi32, #tpu.memory_space<vmem>> -> memref<1x512xi32, #tpu.memory_space<vmem>>
    %dma_wait3A_109 = tpu.memref_squeeze %dma_wait3A_108 : memref<1x512xi32, #tpu.memory_space<vmem>> -> memref<512xi32, #tpu.memory_space<vmem>>
    %dma_wait3A_110 = arith.constant 0 : i32
    %dma_wait3A_111 = arith.constant 0 : i32
    %dma_wait3A_112 = tpu.memref_slice %arg2[%dma_wait3A_110, %dma_wait3A_111] : memref<1000001x64xf32, #tpu.memory_space<hbm>> -> memref<1000001x64xf32, #tpu.memory_space<hbm>>
    tpu.wait_indirect_dma semaphore(%arg10 : memref<!tpu.dma_semaphore, #tpu.memory_space<semaphore_mem>>) src(%dma_wait3A_112 : memref<1000001x64xf32, #tpu.memory_space<hbm>>) dst(%dma_wait3A_106 : memref<512x64xf32, #tpu.memory_space<vmem>>)
    %add3A_113 = arith.constant 25088 : i32
    %add3A_114 = arith.addi %mul3A_2, %add3A_113 : i32
    %dma_start3A_115 = arith.constant 1 : i32
    %dma_start3A_116 = arith.constant 0 : i32
    %dma_start3A_117 = arith.constant 0 : i32
    %dma_start3A_118 = tpu.memref_slice %arg6[%dma_start3A_115, %dma_start3A_116, %dma_start3A_117] : memref<2x512x64xf32, #tpu.memory_space<vmem>> -> memref<1x512x64xf32, #tpu.memory_space<vmem>>
    %dma_start3A_119 = tpu.memref_squeeze %dma_start3A_118 : memref<1x512x64xf32, #tpu.memory_space<vmem>> -> memref<512x64xf32, #tpu.memory_space<vmem>>
    %dma_start3A_120 = arith.constant 0 : i32
    %dma_start3A_121 = tpu.memref_slice %arg4[%add3A_114, %dma_start3A_120] : memref<819200x64xf32, #tpu.memory_space<hbm>> -> memref<512x64xf32, #tpu.memory_space<hbm>>
    %dma_start3A_122 = arith.constant 0 : i32
    %dma_start3A_123 = tpu.memref_slice %arg4[%add3A_114, %dma_start3A_122] : memref<819200x64xf32, #tpu.memory_space<hbm>> -> memref<512x64xf32, #tpu.memory_space<hbm>>
    %dma_start3A_124 = arith.constant 0 : i32
    %dma_start3A_125 = arith.constant 0 : i32
    %dma_start3A_126 = tpu.memref_slice %arg6[%dma_start3A_115, %dma_start3A_124, %dma_start3A_125] : memref<2x512x64xf32, #tpu.memory_space<vmem>> -> memref<1x512x64xf32, #tpu.memory_space<vmem>>
    %dma_start3A_127 = tpu.memref_squeeze %dma_start3A_126 : memref<1x512x64xf32, #tpu.memory_space<vmem>> -> memref<512x64xf32, #tpu.memory_space<vmem>>
    tpu.enqueue_dma source(%dma_start3A_127 : memref<512x64xf32, #tpu.memory_space<vmem>>) target(%dma_start3A_123 : memref<512x64xf32, #tpu.memory_space<hbm>>) target_semaphore(%arg12 : memref<!tpu.dma_semaphore, #tpu.memory_space<semaphore_mem>>)
    %add3A_128 = arith.constant 24576 : i32
    %add3A_129 = arith.addi %mul3A_2, %add3A_128 : i32
    %dma_wait3A_130 = arith.constant 0 : i32
    %dma_wait3A_131 = arith.constant 0 : i32
    %dma_wait3A_132 = arith.constant 0 : i32
    %dma_wait3A_133 = tpu.memref_slice %arg6[%dma_wait3A_130, %dma_wait3A_131, %dma_wait3A_132] : memref<2x512x64xf32, #tpu.memory_space<vmem>> -> memref<1x512x64xf32, #tpu.memory_space<vmem>>
    %dma_wait3A_134 = tpu.memref_squeeze %dma_wait3A_133 : memref<1x512x64xf32, #tpu.memory_space<vmem>> -> memref<512x64xf32, #tpu.memory_space<vmem>>
    %dma_wait3A_135 = arith.constant 0 : i32
    %dma_wait3A_136 = tpu.memref_slice %arg4[%add3A_129, %dma_wait3A_135] : memref<819200x64xf32, #tpu.memory_space<hbm>> -> memref<512x64xf32, #tpu.memory_space<hbm>>
    %dma_wait3A_137 = arith.constant 0 : i32
    %dma_wait3A_138 = tpu.memref_slice %arg4[%add3A_129, %dma_wait3A_137] : memref<819200x64xf32, #tpu.memory_space<hbm>> -> memref<512x64xf32, #tpu.memory_space<hbm>>
    %dma_wait3A_139 = arith.constant 0 : i32
    %dma_wait3A_140 = arith.constant 0 : i32
    %dma_wait3A_141 = tpu.memref_slice %arg6[%dma_wait3A_130, %dma_wait3A_139, %dma_wait3A_140] : memref<2x512x64xf32, #tpu.memory_space<vmem>> -> memref<1x512x64xf32, #tpu.memory_space<vmem>>
    %dma_wait3A_142 = tpu.memref_squeeze %dma_wait3A_141 : memref<1x512x64xf32, #tpu.memory_space<vmem>> -> memref<512x64xf32, #tpu.memory_space<vmem>>
    tpu.wait_dma2 semaphore(%arg11 : memref<!tpu.dma_semaphore, #tpu.memory_space<semaphore_mem>>) src(%dma_wait3A_142 : memref<512x64xf32, #tpu.memory_space<vmem>>) dst(%dma_wait3A_138 : memref<512x64xf32, #tpu.memory_space<hbm>>)
    %add3A_143 = arith.constant 25088 : i32
    %add3A_144 = arith.addi %mul3A_2, %add3A_143 : i32
    %dma_wait3A_145 = arith.constant 1 : i32
    %dma_wait3A_146 = arith.constant 0 : i32
    %dma_wait3A_147 = arith.constant 0 : i32
    %dma_wait3A_148 = tpu.memref_slice %arg6[%dma_wait3A_145, %dma_wait3A_146, %dma_wait3A_147] : memref<2x512x64xf32, #tpu.memory_space<vmem>> -> memref<1x512x64xf32, #tpu.memory_space<vmem>>
    %dma_wait3A_149 = tpu.memref_squeeze %dma_wait3A_148 : memref<1x512x64xf32, #tpu.memory_space<vmem>> -> memref<512x64xf32, #tpu.memory_space<vmem>>
    %dma_wait3A_150 = arith.constant 0 : i32
    %dma_wait3A_151 = tpu.memref_slice %arg4[%add3A_144, %dma_wait3A_150] : memref<819200x64xf32, #tpu.memory_space<hbm>> -> memref<512x64xf32, #tpu.memory_space<hbm>>
    %dma_wait3A_152 = arith.constant 0 : i32
    %dma_wait3A_153 = tpu.memref_slice %arg4[%add3A_144, %dma_wait3A_152] : memref<819200x64xf32, #tpu.memory_space<hbm>> -> memref<512x64xf32, #tpu.memory_space<hbm>>
    %dma_wait3A_154 = arith.constant 0 : i32
    %dma_wait3A_155 = arith.constant 0 : i32
    %dma_wait3A_156 = tpu.memref_slice %arg6[%dma_wait3A_145, %dma_wait3A_154, %dma_wait3A_155] : memref<2x512x64xf32, #tpu.memory_space<vmem>> -> memref<1x512x64xf32, #tpu.memory_space<vmem>>
    %dma_wait3A_157 = tpu.memref_squeeze %dma_wait3A_156 : memref<1x512x64xf32, #tpu.memory_space<vmem>> -> memref<512x64xf32, #tpu.memory_space<vmem>>
    tpu.wait_dma2 semaphore(%arg12 : memref<!tpu.dma_semaphore, #tpu.memory_space<semaphore_mem>>) src(%dma_wait3A_157 : memref<512x64xf32, #tpu.memory_space<vmem>>) dst(%dma_wait3A_153 : memref<512x64xf32, #tpu.memory_space<hbm>>)
    return
  }
}

</mosaic_0001>

<sc_bundles>
// kernel: _gather_flat.3.cloned.1.call-start
scs
__scs_entry_jumppad:
0x0: {  	(pc) =	sbr.rel $0x88, $3  }
0x1: {  	(tag) =	ssettag $0x0;
	lr =	simm.s32 $0x1  }
0x2: {  	[smem:$0x3F9F] =	sst lr;
	_ =	strace $0xD0000000  }
0x3: {  	_ = 	snop  }
0x4: {  	_ = 	snop  }
0x5: {  	_ = 	snop  }
0x6: {  	_ = 	snop  }
0x7: {  	_ = 	snop  }
__scs_overlays_trampoline_lowered:
0x8: {  	[smem:$0x3FAE] =	sst s0  }
0x9: {  	[smem:$0x3FAF] =	sst s1  }
0xa: {  	[smem:$0x3FB0] =	sst s2  }
0xb: {  	[smem:$0x3FB1] =	sst s3  }
0xc: {  	[smem:$0x3FB2] =	sst s4  }
0xd: {  	[smem:$0x3FB3] =	sst s5  }
0xe: {  	[smem:$0x3FB4] =	sst s6  }
0xf: {  	[smem:$0x3FB5] =	sst s7  }
0x10: {  	[smem:$0x3FB6] =	sst s8  }
0x11: {  	[smem:$0x3FB7] =	sst s9;
	s0 =	simm.s32 @!p0 $0x0  }
0x12: {  	s1 =	sld [smem:$0x3F9D];
	s0 =	simm.s32 @p0 $0x1  }
0x13: {  	[smem:$0x3FB8] =	sst s0;
	s0 =	simm.s32 @!p1 $0x0  }
0x14: {  	s2 =	sld [smem:$0x3F9C];
	s0 =	simm.s32 @p1 $0x1  }
0x15: {  	[smem:$0x3FB9] =	sst s0;
	s0 =	simm.s32 @!p2 $0x0  }
0x16: {  	s3 =	sld [smem:$0x3FDB];
	s0 =	simm.s32 @p2 $0x1  }
0x17: {  	s4 =	simm.s32 $0x1BF5;
	[smem:$0x3FBB] =	sst s0  }
0x18: {  	s0 =	sld [smem:$0x3F9E];
	_ =	swait.ge [sflag:s4], $0x0  }
0x19: {  	s7 =	sld [smem:$0x3F9F]  }
0x1a: {  	s8 =	sadd.s32 $0xFFFFE003, lr  }
0x1b: {  	s9 =	sadd.s32 $0xFFFFFEF7, lr;
	s5 =	simm.s32 $0xFFFFFFFF;
	p2 =	slt.u32 s8, $0xFFFFF086  }
0x1c: {  	p1 =	slt.u32 s9, $0xF7A;
	s5 =	simm.s32 @!p2 $0x0  }
0x1d: {  	s5 =	simm.s32 @p1 $0x1;
	p0 =	seq.s32 s7, s2  }
0x1e: {  	s7 =	smul.u32 @!p0 $0xF7A, s2;
	p2 =	seq.s32 @!p0 s5, $0x0  }
0x1f: {  	s9 =	smul.u32 $0xF7A, s1;
	s8 =	simm.s32 @!p0 $0x1BF5;
	p2 =	por !p2, p0  }
0x20: {  	[sflag:s8] =	ssyncset.s32 @!p0 $0xFFFFF086;
	s6 =	sadd.s32 @!p0 s3, s7;
	s7 =	simm.s32 @!p0 $0x108  }
0x21: {  	s3 =	sadd.s32 s3, s9;
	s6 =	sadd.s32 @!p0 $0x88, s6;
	s7 =	simm.s32 @p2 $0x1082  }
0x22: {  	[simem:s7], [sflag:s8] =	dma.local @!p0 [hbm:s6], $0xF7A  }
0x23: {  	s9 =	sor.u32 $0xD0000000, s2;
	s6 =	simm.s32 $0x108;
	_ =	swait.ge @!p0 [sflag:s8], $0x0  }
0x24: {  	s3 =	sadd.s32 $0x88, s3;
	s6 =	simm.s32 @!p1 $0x1082;
	[sflag:s4] =	ssyncset.s32 $0xFFFFF086  }
0x25: {  	[simem:s6], [sflag:s4] =	dma.local [hbm:s3], $0xF7A  }
0x26: {  	[smem:$0x3F9F] =	sst s1;
	(tag) =	ssettag s2;
	_ =	strace s9  }
0x27: {  	s1 =	sld [smem:$0x3FAF]  }
0x28: {  	s2 =	sld [smem:$0x3FB0]  }
0x29: {  	s4 =	sld [smem:$0x3FB2]  }
0x2a: {  	p0 =	seq.s32 s5, $0x0;
	s5 =	sld [smem:$0x3FB3]  }
0x2b: {  	s6 =	sld [smem:$0x3FB4]  }
0x2c: {  	s7 =	sld [smem:$0x3FB5]  }
0x2d: {  	s3 =	simm.s32 $0x108;
	s8 =	sld [smem:$0x3FB6]  }
0x2e: {  	s3 =	simm.s32 @!p0 $0x1082;
	s9 =	sld [smem:$0x3FB7]  }
0x2f: {  	lr =	sadd.s32 s0, s3;
	s0 =	sld [smem:$0x3FAE]  }
0x30: {  	s3 =	sld [smem:$0x3FB1]  }
0x31: {  	[smem:$0x3FBA] =	sst s10  }
0x32: {  	s10 =	sld [smem:$0x3FB8];
	_ =	sdelay $0x3  }
0x33: {  	p0 =	seq.s32 s10, $0x1;
	s10 =	sld [smem:$0x3FBA];
	_ =	sdelay $0x3  }
0x34: {  	[smem:$0x3FBA] =	sst s10  }
0x35: {  	s10 =	sld [smem:$0x3FB9];
	_ =	sdelay $0x3  }
0x36: {  	p1 =	seq.s32 s10, $0x1;
	s10 =	sld [smem:$0x3FBA];
	_ =	sdelay $0x3  }
0x37: {  	[smem:$0x3FBA] =	sst s10  }
0x38: {  	s10 =	sld [smem:$0x3FBB]  }
0x39: {  	_ = 	snop;
	(pc) =	sbr.ind lr, $3  }
0x3a: {  	_ = 	snop  }
0x3b: {  	_ = 	snop  }
0x3c: {  	p2 =	seq.s32 s10, $0x1;
	s10 =	sld [smem:$0x3FBA]  }
0x3d: {  	_ =	shalt  }
0x3e: {  	_ =	shalt  }
0x3f: {  	_ =	shalt  }
0x40: {  	_ =	shalt  }
0x41: {  	_ =	shalt  }
0x42: {  	_ =	shalt  }
0x43: {  	_ =	shalt  }
0x44: {  	_ =	shalt  }
0x45: {  	_ =	shalt  }
0x46: {  	_ =	shalt  }
0x47: {  	_ =	shalt  }
0x48: {  	_ =	shalt  }
0x49: {  	_ =	shalt  }
0x4a: {  	_ =	shalt  }
0x4b: {  	_ =	shalt  }
0x4c: {  	_ =	shalt  }
0x4d: {  	_ =	shalt  }
0x4e: {  	_ =	shalt  }
0x4f: {  	_ =	shalt  }
0x50: {  	_ =	shalt  }
0x51: {  	_ =	shalt  }
0x52: {  	_ =	shalt  }
0x53: {  	_ =	shalt  }
0x54: {  	_ =	shalt  }
0x55: {  	_ =	shalt  }
0x56: {  	_ =	shalt  }
0x57: {  	_ =	shalt  }
0x58: {  	_ =	shalt  }
0x59: {  	_ =	shalt  }
0x5a: {  	_ =	shalt  }
0x5b: {  	_ =	shalt  }
0x5c: {  	_ =	shalt  }
0x5d: {  	_ =	shalt  }
0x5e: {  	_ =	shalt  }
0x5f: {  	_ =	shalt  }
0x60: {  	_ =	shalt  }
0x61: {  	_ =	shalt  }
0x62: {  	_ =	shalt  }
0x63: {  	_ =	shalt  }
0x64: {  	_ =	shalt  }
0x65: {  	_ =	shalt  }
0x66: {  	_ =	shalt  }
0x67: {  	_ =	shalt  }
0x68: {  	_ =	shalt  }
0x69: {  	_ =	shalt  }
0x6a: {  	_ =	shalt  }
0x6b: {  	_ =	shalt  }
0x6c: {  	_ =	shalt  }
0x6d: {  	_ =	shalt  }
0x6e: {  	_ =	shalt  }
0x6f: {  	_ =	shalt  }
0x70: {  	_ =	shalt  }
0x71: {  	_ =	shalt  }
0x72: {  	_ =	shalt  }
0x73: {  	_ =	shalt  }
0x74: {  	_ =	shalt  }
0x75: {  	_ =	shalt  }
0x76: {  	_ =	shalt  }
0x77: {  	_ =	shalt  }
0x78: {  	_ =	shalt  }
0x79: {  	_ =	shalt  }
0x7a: {  	_ =	shalt  }
0x7b: {  	_ =	shalt  }
0x7c: {  	_ =	shalt  }
0x7d: {  	_ =	shalt  }
0x7e: {  	_ =	shalt  }
0x7f: {  	_ =	shalt  }
0x80: {  	_ =	shalt  }
0x81: {  	_ =	shalt  }
0x82: {  	_ =	shalt  }
0x83: {  	_ =	shalt  }
0x84: {  	_ =	shalt  }
0x85: {  	_ =	shalt  }
0x86: {  	_ =	shalt  }
0x87: {  	_ =	shalt  }
.Lfunc_end0:
.L_simem_size_0:
called_computation.1_lowered:
.L_overlay_start_0:
0x88: {  	s2 =	sld [smem:$0x3FD9]  }
0x89: {  	s3 =	sld [smem:$0x3FFE];
	_ =	sdelay $0x1  }
0x8a: {  	s1 =	srdreg.scid  }
0x8b: {  	s0 =	sand.u32 $0x1, s1  }
0x8c: {  	s17 =	sshll.u32 s0, $0xA;
	s2 =	sadd.s32 s3, s2  }
0x8d: {  	s2 =	sadd.s32 s2, s17  }
0x8e: {  	[smem:$0x3FC6] =	sst s2  }
0x8f: {  	_ = 	snop  }
0x90: {  	s2 =	sld [smem:$0x3FC8]  }
0x91: {  	s18 =	sld [smem:$0x3FD0];
	(tm) =	ssettm $0x1  }
0x92: {  	s4 =	sld [smem:$0x3FFB];
	_ =	sdelay $0x3  }
0x93: {  	_ =	strace s4  }
0x94: {  	s4 =	sld [smem:$0x3FFC];
	_ =	sdelay $0x3  }
0x95: {  	_ =	strace s4  }
0x96: {  	s4 =	sld [smem:$0x3FFD];
	_ =	sdelay $0x3  }
0x97: {  	_ =	strace s4  }
0x98: {  	_ =	strace $0x8FFFFFFF  }
0x99: {  	s19 =	sld [smem:$0x3FDB];
	_ =	sdelay $0x1  }
0x9a: {  	s5 =	simm.s32 $_scs_section_size  }
0x9b: {  	s6 =	simm.s32 $_size__tile_overlayer_lowered;
	s7 =	simm.s32 $_tile_overlayer_lowered  }
0x9c: {  	s22 =	simm.s32 $0x1BFF;
	s21 =	sshll.u32 s7, $0x1;
	s4 =	sadd.s32 s5, s19  }
0x9d: {  	s8 =	simm.s32 $0x0;
	s20 =	sshll.u32 s6, $0x1;
	s6 =	sadd.s32 s21, s4  }
0x9e: {  	[timem:s8], [sflag:s22] =	dma.local [hbm:s6], s20  }
0x9f: {  	_ =	swait.ge [sflag:s22], s20  }
0xa0: {  	s5 =	ssub.s32 $0x0, s20;
	[sflag:s22] =	ssyncset.done $0x0  }
0xa1: {  	[sflag:s22] =	ssyncadd.s32 s5;
	_ =	sdelay $0x1  }
0xa2: {  	s23 =	simm.s32 $0x1B8B  }
0xa3: {  	_ =	swait.ge [sflag:s23], $0x1  }
0xa4: {  	[sflag:s23] =	ssyncset.done $0x0  }
0xa5: {  	s25 =	simm.s32 $0x1B8E;
	s24 =	sld [smem:$0x3FFE];
	[sflag:s23] =	ssyncadd.s32 $0xFFFFFFFF  }
0xa6: {  	s26 =	simm.s32 $execute0_lowered;
	[smem:$0x3FD2] =	sst s25  }
0xa7: {  	s6 =	sshll.u32 s26, $0x1;
	_ =	strace $0x80000046;
	[dreg:$0x1] =	wrdreg $0xFFFFFFFF  }
0xa8: {  	s28 =	simm.s32 $_size_execute0_lowered;
	s4 =	sadd.s32 s4, s6;
	[dreg:$0x0] =	wrdreg $0x0  }
0xa9: {  	s6 =	sshll.u32 s28, $0x1;
	[dreg:$0x2] =	wrdreg s4  }
0xaa: {  	[dreg:$0x3] =	wrdreg s6  }
0xab: {  	[dreg:$0x4] =	wrdreg $0xC0  }
0xac: {  	_ =	task [dreg:s8], $0x5FFFF  }
0xad: {  	[dreg:$0x1] =	wrdreg $0xFFFFFFFF  }
0xae: {  	[dreg:$0x0] =	wrdreg $0x60  }
0xaf: {  	[dreg:$0x2] =	wrdreg s24  }
0xb0: {  	[dreg:$0x3] =	wrdreg s2  }
0xb1: {  	[dreg:$0x4] =	wrdreg s18  }
0xb2: {  	[dreg:$0x5] =	wrdreg $0x9  }
0xb3: {  	_ =	task.clear_ibuf [dreg:s8], $0x6FFFF;
	_ =	strace $0x90000046  }
0xb4: {  	s29 =	simm.s32 $0x9;
	_ =	strace $0x80000048  }
0xb5: {  	_ =	swait.ge [sflag:s29], $0x1  }
0xb6: {  	[sflag:s29] =	ssyncadd.s32 $0xFFFFFFFF  }
0xb7: {  	_ =	strace $0x90000048  }
0xb8: {  	_ =	sfence  }
0xb9: {  	s30 =	sld [smem:$0x0];
	_ =	sdelay $0x2  }
0xba: {  	s31 =	sshll.u32 s1, $0xD;
	s1 =	sshrl.u32 s1, $0x2  }
0xbb: {  	s3 =	sand.u32 $0x4000, s31;
	s1 =	sadd.s32 s1, s30  }
0xbc: {  	s0 =	sor.u32 s3, s0;
	s1 =	sshll.u32 s1, $0x11  }
0xbd: {  	s0 =	sor.u32 s1, s0  }
0xbe: {  	s0 =	sadd.s32 $0x8F2B, s0  }
0xbf: {  	[sflag:s0] =	ssyncadd.remote.s32 $0x1  }
0xc0: {  	_ =	sfence.sel $0xFFFF  }
0xc1: {  	[dreg:$0x0] =	wrdreg $0xFFFFFFFF;
	(pc) =	sbr.abs _section_cstart, $3  }
0xc2: {  	[dreg:$0x1] =	wrdreg $0xFFFFFFFF  }
0xc3: {  	_ =	task.clear_ibuf [dreg:s8], $0x2FFFF;
	_ =	strace $0x9FFFFFFF  }
0xc4: {  	(tm) =	ssettm $0x7FFFFFFF  }
0xc5: {  	_ =	shalt  }
tec
execute0_lowered:
.L_overlay_start_1:
0x0: {  	(tag) =	ssettag $0x1  }
0x1: {  	s4 =	rddreg [dreg:$0x0]  }
0x2: {  	s2 =	rddreg [dreg:$0x1];
	s1 =	srdreg.scid  }
0x3: {  	s0 =	stileid.u32;
	s12 =	rddreg [dreg:$0x2];
	s3 =	simm.s32 $0x0  }
0x4: {  	s15 =	simm.s32 $0x1;
	s16 =	simm.s32 $0x400;
	s17 =	simm.s32 $0x2  }
0x5: {  	s18 =	simm.s32 $0x8400;
	s19 =	simm.s32 $0x3;
	s20 =	simm.s32 $0x5  }
0x6: {  	s21 =	simm.s32 $0x4;
	s22 =	simm.s32 $0x6;
	s10 =	smul.u32 $0x320000, s0  }
0x7: {  	s23 =	simm.s32 $0x0;
	s7 =	sand.u32 $0x1, s1;
	s13 =	smul.u32 $0xC800, s0  }
0x8: {  	s5 =	sshll.u32 s0, $0x1;
	s1 =	rddreg [dreg:$0x3];
	s29 =	smul.u32 $0x6400, s7  }
0x9: {  	[smem:$0x7FF] =	sst s3;
	s5 =	sor.u32 s7, s5;
	s14 =	smul.u32 $0x190000, s7  }
0xa: {  	s4 =	sadd.s32 $0xF42E00, s4;
	s8 =	ssub.s32 $0x2, s7;
	s6 =	smul.u32 $0x6400, s5  }
0xb: {  	_ =	strace $0x80000047;
	s9 =	smul.u32 $0x190000, s5;
	s25 =	sshrl.u32 s8, $0x1  }
0xc: {  	s11 =	ssub.s32 s8, s25;
	s13 =	sadd.s32 s29, s13;
	s10 =	sadd.s32 s14, s10  }
0xd: {  	s14 =	simm.s32 $0x200;
	s26 =	sshrl.u32 s6, $0x3;
	s28 =	sshrl.u32 s9, $0x3  }
0xe: {  	s9 =	smax.u32 s11, $0x1;
	s30 =	sadd.s32 $0x600, s13;
	s10 =	sshrl.u32 s10, $0x3  }
0xf: {  	s31 =	sshll.u32 s13, $0x3;
	s13 =	sadd.s32 $0x400, s13;
	s5 =	sadd.s32 s2, s26  }
0x10: {  	s8 =	sadd.s32 s12, s28;
	s11 =	sshrl.u32 s30, $0x3;
	s10 =	sadd.s32 s10, s12  }
0x11: {  	s12 =	sadd.s32 s31, s12;
	s6 =	sadd.s32 $0x40, s5;
	s7 =	sadd.s32 $0x30000, s8  }
0x12: {  	s8 =	sadd.s32 $0x31000, s8;
	s11 =	sadd.s32 s11, s2;
	s12 =	sadd.s32 $0x1000, s12  }
.LBB2_1:
0x13: {  	[tilespmem:s3], [sflag:$0x1] =	stream.linear.gather [hbm4b:s5+s3], $0x200, $0x38;
	[tilespmem:$0x10400] =	vst v63  }
0x14: {  	_ = 	snop  }
0x15: {  	[tilespmem:s14], [sflag:$0x2] =	stream.linear.gather [hbm4b:s6+s3], $0x200, $0x38;
	[tilespmem:$0x10400] =	vst v63  }
0x16: {  	_ =	swait.ge [sflag:s15], $0x200  }
0x17: {  	[sflag:s15] =	ssyncset.done $0x0  }
0x18: {  	[sflag:s15] =	ssyncadd.s32 $0xFFFFFE00  }
0x19: {  	[tilespmem:s16], [sflag:$0x3] =	stream.indirect.gather [hbm4b:s4+s14], $0x40, s3, s14, $0xb8;
	[tilespmem:$0x10400] =	vst v63  }
0x1a: {  	_ =	swait.ge [sflag:s17], $0x200  }
0x1b: {  	[sflag:s17] =	ssyncset.done $0x0  }
0x1c: {  	[sflag:s17] =	ssyncadd.s32 $0xFFFFFE00  }
0x1d: {  	[tilespmem:s18], [sflag:$0x4] =	stream.indirect.gather [hbm4b:s4+s14], $0x40, s14, s14, $0xb8;
	[tilespmem:$0x10400] =	vst v63  }
0x1e: {  	_ =	swait.ge [sflag:s19], $0x8000  }
0x1f: {  	[sflag:s19] =	ssyncset.done $0x0  }
0x20: {  	s24 =	sadd.s32 $0x0, s10;
	s25 =	sshrl.u32 s13, $0x3;
	[sflag:s19] =	ssyncadd.s32 $0xFFFF8000  }
0x21: {  	[hbm4b:s24+s3] =	stream.linear.scatter [tilespmem:s16], [sflag:$0x5], $0x8000, $0x38;
	[tilespmem:$0x10400] =	vst v63  }
0x22: {  	s30 =	sadd.s32 s2, s25  }
0x23: {  	[tilespmem:s3], [sflag:$0x1] =	stream.linear.gather [hbm4b:s30+s3], $0x200, $0x38;
	[tilespmem:$0x10400] =	vst v63  }
0x24: {  	_ =	swait.ge [sflag:s20], $0x8000  }
0x25: {  	[sflag:s20] =	ssyncset.done $0x0  }
0x26: {  	[sflag:s20] =	ssyncadd.s32 $0xFFFF8000  }
0x27: {  	_ =	swait.ge [sflag:s15], $0x200  }
0x28: {  	[sflag:s15] =	ssyncset.done $0x0  }
0x29: {  	[sflag:s15] =	ssyncadd.s32 $0xFFFFFE00  }
0x2a: {  	[tilespmem:s16], [sflag:$0x3] =	stream.indirect.gather [hbm4b:s4+s14], $0x40, s3, s14, $0xb8;
	[tilespmem:$0x10400] =	vst v63  }
0x2b: {  	_ =	swait.ge [sflag:s21], $0x8000  }
0x2c: {  	[sflag:s21] =	ssyncset.done $0x0  }
0x2d: {  	s31 =	sadd.s32 $0x0, s12;
	[sflag:s21] =	ssyncadd.s32 $0xFFFF8000  }
0x2e: {  	[hbm4b:s31+s3] =	stream.linear.scatter [tilespmem:s18], [sflag:$0x6], $0x8000, $0x38;
	[tilespmem:$0x10400] =	vst v63  }
0x2f: {  	_ = 	snop  }
0x30: {  	[tilespmem:s14], [sflag:$0x2] =	stream.linear.gather [hbm4b:s11+s3], $0x200, $0x38;
	[tilespmem:$0x10400] =	vst v63  }
0x31: {  	_ =	swait.ge [sflag:s22], $0x8000  }
0x32: {  	[sflag:s22] =	ssyncset.done $0x0  }
0x33: {  	[sflag:s22] =	ssyncadd.s32 $0xFFFF8000  }
0x34: {  	_ =	swait.ge [sflag:s17], $0x200  }
0x35: {  	s26 =	sadd.s32 $0x400, s13;
	[sflag:s17] =	ssyncset.done $0x0  }
0x36: {  	s25 =	sadd.s32 $0x80, s11;
	s24 =	simm.s32 $0x2000;
	[sflag:s17] =	ssyncadd.s32 $0xFFFFFE00  }
.LBB2_2:
0x37: {  	[tilespmem:s18], [sflag:$0x4] =	stream.indirect.gather [hbm4b:s4+s14], $0x40, s14, s14, $0xb8;
	[tilespmem:$0x10400] =	vst v63  }
0x38: {  	s28 =	smov.u32 s24  }
0x39: {  	p0 =	sne.s32 s24, $0x2E000;
	s24 =	sadd.s32 $0x2000, s24;
	_ =	swait.ge [sflag:s19], $0x8000  }
0x3a: {  	[sflag:s19] =	ssyncset.done $0x0  }
0x3b: {  	s30 =	sshrl.u32 s26, $0x3;
	s29 =	sadd.s32 s28, s10;
	[sflag:s19] =	ssyncadd.s32 $0xFFFF8000  }
0x3c: {  	[hbm4b:s29+s3] =	stream.linear.scatter [tilespmem:s16], [sflag:$0x5], $0x8000, $0x38;
	[tilespmem:$0x10400] =	vst v63  }
0x3d: {  	s29 =	sadd.s32 s2, s30  }
0x3e: {  	[tilespmem:s3], [sflag:$0x1] =	stream.linear.gather [hbm4b:s29+s3], $0x200, $0x38;
	[tilespmem:$0x10400] =	vst v63  }
0x3f: {  	_ =	swait.ge [sflag:s20], $0x8000  }
0x40: {  	[sflag:s20] =	ssyncset.done $0x0  }
0x41: {  	[sflag:s20] =	ssyncadd.s32 $0xFFFF8000  }
0x42: {  	_ =	swait.ge [sflag:s15], $0x200  }
0x43: {  	[sflag:s15] =	ssyncset.done $0x0  }
0x44: {  	[sflag:s15] =	ssyncadd.s32 $0xFFFFFE00  }
0x45: {  	[tilespmem:s16], [sflag:$0x3] =	stream.indirect.gather [hbm4b:s4+s14], $0x40, s3, s14, $0xb8;
	[tilespmem:$0x10400] =	vst v63  }
0x46: {  	_ =	swait.ge [sflag:s21], $0x8000  }
0x47: {  	[sflag:s21] =	ssyncset.done $0x0  }
0x48: {  	s28 =	sadd.s32 s28, s12;
	[sflag:s21] =	ssyncadd.s32 $0xFFFF8000  }
0x49: {  	[hbm4b:s28+s3] =	stream.linear.scatter [tilespmem:s18], [sflag:$0x6], $0x8000, $0x38;
	[tilespmem:$0x10400] =	vst v63  }
0x4a: {  	_ = 	snop  }
0x4b: {  	[tilespmem:s14], [sflag:$0x2] =	stream.linear.gather [hbm4b:s25+s3], $0x200, $0x38;
	[tilespmem:$0x10400] =	vst v63  }
0x4c: {  	_ =	swait.ge [sflag:s22], $0x8000  }
.Ltmp0:
0x4d: {  	[sflag:s22] =	ssyncset.done $0x0;
	(pc) =	sbr.rel @p0 .LBB2_2-.Ltmp0, $4  }
0x4e: {  	[sflag:s22] =	ssyncadd.s32 $0xFFFF8000  }
0x4f: {  	_ =	swait.ge [sflag:s17], $0x200  }
0x50: {  	[sflag:s17] =	ssyncset.done $0x0  }
0x51: {  	s26 =	sadd.s32 $0x400, s26;
	s25 =	sadd.s32 $0x80, s25;
	[sflag:s17] =	ssyncadd.s32 $0xFFFFFE00  }
0x52: {  	[tilespmem:s18], [sflag:$0x4] =	stream.indirect.gather [hbm4b:s4+s14], $0x40, s14, s14, $0xb8;
	[tilespmem:$0x10400] =	vst v63  }
0x53: {  	_ =	swait.ge [sflag:s19], $0x8000  }
0x54: {  	[sflag:s19] =	ssyncset.done $0x0  }
0x55: {  	[sflag:s19] =	ssyncadd.s32 $0xFFFF8000  }
0x56: {  	[hbm4b:s7+s3] =	stream.linear.scatter [tilespmem:s16], [sflag:$0x5], $0x8000, $0x38;
	[tilespmem:$0x10400] =	vst v63  }
0x57: {  	_ =	swait.ge [sflag:s21], $0x8000  }
0x58: {  	[sflag:s21] =	ssyncset.done $0x0  }
0x59: {  	s23 =	sadd.s32 $0x1, s23;
	[sflag:s21] =	ssyncadd.s32 $0xFFFF8000  }
0x5a: {  	[hbm4b:s8+s3] =	stream.linear.scatter [tilespmem:s18], [sflag:$0x6], $0x8000, $0x38;
	[tilespmem:$0x10400] =	vst v63  }
0x5b: {  	p0 =	sne.s32 s23, s9;
	_ =	swait.ge [sflag:s20], $0x8000  }
.Ltmp1:
0x5c: {  	[sflag:s20] =	ssyncset.done $0x0;
	(pc) =	sbr.rel @p0 .LBB2_1-.Ltmp1, $4  }
0x5d: {  	[sflag:s20] =	ssyncadd.s32 $0xFFFF8000  }
0x5e: {  	_ =	swait.ge [sflag:s22], $0x8000  }
0x5f: {  	[sflag:s22] =	ssyncset.done $0x0  }
0x60: {  	[sflag:s22] =	ssyncadd.s32 $0xFFFF8000  }
0x61: {  	_ =	sfence.sel $0x180000  }
0x62: {  	[bflag:$0x0] =	sbarrier.arrive $0xFFFF  }
0x63: {  	p0 =	sne.s32 s0, $0x0;
	_ =	strace $0x90000047  }
0x64: {  	s0 =	sadd.s32 @!p0 $0x100000, s1;
	[bflag:$0x2] =	sbarrier.arrive $0xFFFF  }
0x65: {  	[sflag:s0] =	ssyncadd.tile.s32 @!p0 $0x1;
	_ =	shalt  }
.Lfunc_end2:
_tile_overlayer_lowered:
.L_overlay_start_2:
0x66: {  	(tag) =	ssettag $0x2  }
0x67: {  	s0 =	rddreg [dreg:$0x0];
	s2 =	stileid.u32  }
0x68: {  	s1 =	rddreg [dreg:$0x1];
	p0 =	sne.s32 s2, $0x0  }
0x69: {  	s3 =	rddreg [dreg:$0x2];
	[bflag:$0x3] =	sbarrier.arrive $0xFFFF;
	s2 =	simm.s32 @!p0 $0x1C07  }
0x6a: {  	[timem:s3], [sflag:s2] =	dma.local @!p0 [hbm:s0], s1  }
0x6b: {  	s0 =	simm.s32 @!p0 $0x7  }
0x6c: {  	_ =	swait.ge @!p0 [sflag:s0], s1  }
0x6d: {  	s1 =	ssub.s32 @!p0 $0x0, s1;
	[sflag:s0] =	ssyncset.done @!p0 $0x0  }
0x6e: {  	[sflag:s0] =	ssyncadd.s32 @!p0 s1  }
0x6f: {  	[bflag:$0x3] =	sbarrier.arrive $0xFFFF  }
0x70: {  	_ =	shalt  }

// kernel: sparse-core-data-format-call.cloned.1.call-start
scs
called_computation_lowered:
.L_overlay_start_0:
0x0: {  	s2 =	sld [smem:$0x3FD9]  }
0x1: {  	s3 =	sld [smem:$0x3FFE];
	_ =	sdelay $0x1  }
0x2: {  	s1 =	srdreg.scid  }
0x3: {  	s0 =	sand.u32 $0x1, s1  }
0x4: {  	s18 =	sshll.u32 s0, $0xA;
	s2 =	sadd.s32 s3, s2  }
0x5: {  	s2 =	sadd.s32 s2, s18  }
0x6: {  	[smem:$0x3FC6] =	sst s2  }
0x7: {  	_ = 	snop  }
0x8: {  	s2 =	sld [smem:$0x3FD0];
	(tm) =	ssettm $0x1  }
0x9: {  	s19 =	sld [smem:$0x3FFB];
	_ =	sdelay $0x3  }
0xa: {  	_ =	strace s19  }
0xb: {  	s3 =	sld [smem:$0x3FFC];
	_ =	sdelay $0x3  }
0xc: {  	_ =	strace s3  }
0xd: {  	s3 =	sld [smem:$0x3FFD];
	_ =	sdelay $0x3  }
0xe: {  	_ =	strace s3  }
0xf: {  	_ =	strace $0x8FFFFFFF  }
0x10: {  	s20 =	sld [smem:$0x3FDB];
	_ =	sdelay $0x1  }
0x11: {  	s4 =	simm.s32 $_scs_section_size  }
0x12: {  	s5 =	simm.s32 $_size__tile_overlayer_lowered;
	s6 =	simm.s32 $_tile_overlayer_lowered  }
0x13: {  	s23 =	simm.s32 $0x1BFF;
	s22 =	sshll.u32 s6, $0x1;
	s3 =	sadd.s32 s4, s20  }
0x14: {  	s7 =	simm.s32 $0x0;
	s21 =	sshll.u32 s5, $0x1;
	s5 =	sadd.s32 s22, s3  }
0x15: {  	[timem:s7], [sflag:s23] =	dma.local [hbm:s5], s21  }
0x16: {  	_ =	swait.ge [sflag:s23], s21  }
0x17: {  	s4 =	ssub.s32 $0x0, s21;
	[sflag:s23] =	ssyncset.done $0x0  }
0x18: {  	[sflag:s23] =	ssyncadd.s32 s4;
	_ =	sdelay $0x1  }
0x19: {  	s24 =	simm.s32 $0x1B8B  }
0x1a: {  	_ =	swait.ge [sflag:s24], $0x1  }
0x1b: {  	[sflag:s24] =	ssyncset.done $0x0  }
0x1c: {  	s26 =	simm.s32 $0x1B8E;
	s25 =	sld [smem:$0x3FFE];
	[sflag:s24] =	ssyncadd.s32 $0xFFFFFFFF  }
0x1d: {  	s27 =	simm.s32 $execute0_lowered;
	[smem:$0x3FD2] =	sst s26  }
0x1e: {  	s5 =	sshll.u32 s27, $0x1;
	_ =	strace $0x80000049;
	[dreg:$0x1] =	wrdreg $0xFFFFFFFF  }
0x1f: {  	s28 =	simm.s32 $_size_execute0_lowered;
	s3 =	sadd.s32 s3, s5;
	[dreg:$0x0] =	wrdreg $0x0  }
0x20: {  	s5 =	sshll.u32 s28, $0x1;
	[dreg:$0x2] =	wrdreg s3  }
0x21: {  	[dreg:$0x3] =	wrdreg s5  }
0x22: {  	[dreg:$0x4] =	wrdreg $0xC0  }
0x23: {  	_ =	task [dreg:s7], $0x5FFFF  }
0x24: {  	[dreg:$0x1] =	wrdreg $0xFFFFFFFF  }
0x25: {  	[dreg:$0x0] =	wrdreg $0x60  }
0x26: {  	[dreg:$0x2] =	wrdreg s25  }
0x27: {  	[dreg:$0x3] =	wrdreg s2  }
0x28: {  	[dreg:$0x4] =	wrdreg $0x9  }
0x29: {  	_ =	task.clear_ibuf [dreg:s7], $0x5FFFF;
	_ =	strace $0x90000049  }
0x2a: {  	s29 =	simm.s32 $0x9;
	_ =	strace $0x8000004B  }
0x2b: {  	_ =	swait.ge [sflag:s29], $0x1  }
0x2c: {  	[sflag:s29] =	ssyncadd.s32 $0xFFFFFFFF  }
0x2d: {  	_ =	strace $0x9000004B  }
0x2e: {  	_ =	sfence  }
0x2f: {  	s30 =	sld [smem:$0x0];
	_ =	sdelay $0x2  }
0x30: {  	s31 =	sshll.u32 s1, $0xD;
	s1 =	sshrl.u32 s1, $0x2  }
0x31: {  	s3 =	sand.u32 $0x4000, s31;
	s1 =	sadd.s32 s1, s30  }
0x32: {  	s0 =	sor.u32 s3, s0;
	s1 =	sshll.u32 s1, $0x11  }
0x33: {  	s0 =	sor.u32 s1, s0  }
0x34: {  	s0 =	sadd.s32 $0x8F2B, s0  }
0x35: {  	[sflag:s0] =	ssyncadd.remote.s32 $0x1  }
0x36: {  	_ =	sfence.sel $0xFFFF  }
0x37: {  	[dreg:$0x0] =	wrdreg $0xFFFFFFFF;
	(pc) =	sbr.abs _section_cstart, $3  }
0x38: {  	[dreg:$0x1] =	wrdreg $0xFFFFFFFF  }
0x39: {  	_ =	task.clear_ibuf [dreg:s7], $0x2FFFF;
	_ =	strace $0x9FFFFFFF  }
0x3a: {  	(tm) =	ssettm $0x7FFFFFFF  }
0x3b: {  	_ =	shalt  }
tec
execute0_lowered:
.L_overlay_start_1:
0x0: {  	(tag) =	ssettag $0x1  }
0x1: {  	s0 =	srdreg.scid  }
0x2: {  	s1 =	sshll.u32 s0, $0x4  }
0x3: {  	s4 =	rddreg [dreg:$0x0];
	s0 =	stileid.u32;
	s1 =	sand.u32 $0x10, s1  }
0x4: {  	s2 =	rddreg [dreg:$0x1];
	s7 =	simm.s32 $0x1;
	s1 =	sor.u32 s0, s1  }
0x5: {  	s8 =	simm.s32 $0x2;
	s11 =	simm.s32 $0x0;
	s3 =	sshll.u32 s1, $0x7  }
0x6: {  	s10 =	simm.s32 $0x0;
	s4 =	sadd.s32 $0x800, s4;
	s6 =	ssub.s32 $0xC8000, s3  }
.Ltmp0:
0x7: {  	s1 =	rddreg [dreg:$0x2];
	s5 =	sand.u32 $0xF80, s6;
	(pc) =	sbr.rel .LBB1_1-.Ltmp0, $4  }
0x8: {  	_ =	strace $0x8000004A;
	s9 =	smov.u32 s3;
	p0 =	sne.s32 s5, $0x0  }
0x9: {  	s6 =	sshrl.u32 s6, $0xC;
	s5 =	simm.s32 $0x1;
	s7 =	simm.s32 @!p0 $0x0  }
0xa: {  	[sflag:s5] =	ssyncpa.u1 $0x0;
	p0 =	por $0x0, $0x0;
	s6 =	sadd.s32 s7, s6  }
0xb: {  	[sflag:s8] =	ssyncpa.u1 $0x0;
	s8 =	simm.s32 $0x640000;
	s7 =	sadd.s32 $0x1, s6  }
.LBB1_4:
0xc: {  	s14 =	sshll.u32 s11, $0x3  }
0xd: {  	s30 =	sand.u32 $0x7F, s11;
	s15 =	sand.u32 $0xFFFFFC00, s14  }
0xe: {  	s11 =	sor.u32 s30, s15  }
0xf: {  	s15 =	smulhi.u32 $0x51EB851F, s11  }
0x10: {  	s14 =	smulhi.u32 $0x51EB851F, s14  }
0x11: {  	s15 =	sshrl.u32 s15, $0x12  }
0x12: {  	s14 =	sshrl.u32 s14, $0x12;
	s15 =	smul.u32 $0xC8000, s15  }
0x13: {  	s14 =	sand.u32 $0x3F, s14  }
0x14: {  	s14 =	smul.u32 $0x19000, s14;
	s11 =	ssub.s32 s11, s15  }
0x15: {  	[tilespmem:s13+$0x810 ss:$0x81] =	vst.msk $0xffff, v2;
	s15 =	sand.u32 $0x7, s11  }
0x16: {  	[tilespmem:s13+$0x1020 ss:$0x81] =	vst.msk $0xffff, v0;
	s14 =	sadd.s32 s2, s14;
	s11 =	sshrl.u32 s11, $0x3;
	s15 =	sshll.u32 s15, $0x12  }
0x17: {  	[tilespmem:s13+$0x0 ss:$0x81] =	vst.msk $0xffff, v1;
	s11 =	sadd.s32 s11, s14;
	s31 =	sor.u32 $0x400, s15  }
0x18: {  	[hbm4b:s11+s31] =	stream.strided.scatter [tilespmem:s12], [sflag:$0x2], $0x2000, s8, s31, $0x20;
	[tilespmem:$0x8080] =	vst v63  }
.LBB1_5:
0x19: {  	s13 =	sadd.s32 $0x1000, s9  }
0x1a: {  	p2 =	sgt.s32 s13, $0xC7FFF  }
0x1b: {  	s13 =	smov.u32 @p2 s3;
	p2 =	sne.s32 s10, s7  }
.Ltmp1:
0x1c: {  	p1 =	slt.u32 s10, $0x2;
	(pc) =	sbr.rel @!p2 .LBB1_6-.Ltmp1, $4  }
0x1d: {  	s12 =	simm.s32 @!p1 $0x2  }
0x1e: {  	s14 =	sadd.s32 $0x1, s10;
	_ =	swait.ge @!p1 [sflag:s12], $0x2000  }
0x1f: {  	s11 =	smov.u32 s9;
	p0 =	por !p0, !p0;
	[sflag:s12] =	ssyncset.done @!p1 $0x0  }
0x20: {  	s10 =	smov.u32 s14;
	s9 =	smov.u32 s13;
	[sflag:s12] =	ssyncadd.s32 @!p1 $0xFFFFE000  }
.LBB1_1:
0x21: {  	p1 =	sge.u32 s10, s6  }
0x22: {  	s12 =	sand.u32 @!p1 $0x1FFFFFF, s9  }
0x23: {  	s13 =	smulhi.u32 @!p1 $0x147AE15, s12;
	_ =	sdelay $0x1  }
0x24: {  	s13 =	sshrl.u32 @!p1 s13, $0xC  }
0x25: {  	s13 =	smul.u32 @!p1 $0xC8000, s13;
	_ =	sdelay $0x1  }
0x26: {  	s31 =	sadd.s32 $0xFFFFFFFF, s10;
	s14 =	sxor.u32 @!p1 $0xFFFFFFFF, s10;
	s12 =	ssub.s32 @!p1 s12, s13  }
0x27: {  	s15 =	simm.s32 @!p1 $0x80;
	s14 =	sshll.u32 @!p1 s14, $0xD;
	s12 =	sshll.u32 @!p1 s12, $0x4  }
0x28: {  	s13 =	sand.u32 @!p1 $0x2000, s14;
	s14 =	simm.s32 @!p1 $0x40;
	s12 =	sadd.s32 @!p1 s4, s12  }
0x29: {  	[tilespmem:s13], [sflag:$0x1] =	stream.strided.gather @!p1 [hbm4b:s12+s14], $0x2000, s15, s14, $0x38;
	[tilespmem:$0x8080] =	vst v63  }
0x2a: {  	p1 =	sge.u32 s31, s6  }
.Ltmp2:
0x2b: {  	_ = 	snop;
	(pc) =	sbr.rel @p1 .LBB1_5-.Ltmp2, $1  }
0x2c: {  	_ =	sdelay $0x3  }
0x2d: {  	s12 =	simm.s32 $0x1  }
0x2e: {  	_ =	swait.ge [sflag:s5], $0x2000;
	s12 =	simm.s32 @!p0 $0x0  }
0x2f: {  	[sflag:s5] =	ssyncset.done $0x0;
	s13 =	sshll.u32 s12, $0xD  }
0x30: {  	[sflag:s5] =	ssyncadd.s32 $0xFFFFE000;
	s16 =	sor.u32 $0x20, s13  }
0x31: {  	s12 =	smul.u32 $0x8100, s12;
	v3 =	vld [tilespmem:s16+$0x10]  }
0x32: {  	s30 =	sand.u32 $0x1, s10;
	v2 =	vld [tilespmem:s16+$0xFFFFFFF0]  }
0x33: {  	s13 =	smul.u32 $0x8100, s30;
	s12 =	sshrl.u32 s12, $0x2;
	v0 =	vld [tilespmem:s16+$0x0]  }
0x34: {  	v1 =	vld [tilespmem:s16+$0xFFFFFFE0];
	s14 =	sor.u32 $0x4000, s12  }
0x35: {  	s31 =	sshrl.u32 s13, $0x2;
	s13 =	sadd.s32 $0x0, s14  }
0x36: {  	s15 =	simm.s32 $0x4;
	s16 =	sadd.s32 $0x40, s16;
	s12 =	sor.u32 $0x4000, s31;
	[tilespmem:s13+$0x1830 ss:$0x81] =	vst.msk $0xffff, v3  }
.LBB1_3:
0x37: {  	v3 =	vld [tilespmem:s16+$0x10];
	p1 =	sne.s32 s15, $0x1FC;
	[tilespmem:s13+$0x810 ss:$0x81] =	vst.msk $0xffff, v2;
	s17 =	smov.u32 s15;
	s15 =	sadd.s32 $0x4, s15  }
.Ltmp3:
0x38: {  	v2 =	vld [tilespmem:s16+$0xFFFFFFF0];
	[tilespmem:s13+$0x1020 ss:$0x81] =	vst.msk $0xffff, v0;
	(pc) =	sbr.rel @p1 .LBB1_3-.Ltmp3, $4  }
0x39: {  	v0 =	vld [tilespmem:s16+$0x0];
	[tilespmem:s13+$0x0 ss:$0x81] =	vst.msk $0xffff, v1  }
0x3a: {  	s13 =	sshra.s32 s17, $0x2;
	v1 =	vld [tilespmem:s16+$0xFFFFFFE0]  }
0x3b: {  	s13 =	sadd.s32 s13, s14  }
0x3c: {  	s16 =	sadd.s32 $0x40, s16;
	[tilespmem:s13+$0x1830 ss:$0x81] =	vst.msk $0xffff, v3  }
.Ltmp4:
0x3d: {  	_ = 	snop;
	(pc) =	sbr.rel .LBB1_4-.Ltmp4, $1  }
0x3e: {  	_ =	sdelay $0x3  }
.LBB1_6:
0x3f: {  	_ =	sfence.sel $0x180000  }
0x40: {  	s2 =	simm.s32 $0x1;
	[bflag:$0x0] =	sbarrier.arrive $0xFFFF  }
0x41: {  	s31 =	simm.s32 $0x2;
	[sflag:s2] =	ssyncpa.u1 $0x1  }
0x42: {  	[sflag:s31] =	ssyncpa.u1 $0x1  }
0x43: {  	p0 =	sne.s32 s0, $0x0;
	_ =	strace $0x9000004A  }
0x44: {  	s0 =	sadd.s32 @!p0 $0x100000, s1;
	[bflag:$0x2] =	sbarrier.arrive $0xFFFF  }
0x45: {  	[sflag:s0] =	ssyncadd.tile.s32 @!p0 $0x1;
	_ =	shalt  }
.Lfunc_end1:
_tile_overlayer_lowered:
.L_overlay_start_2:
0x46: {  	(tag) =	ssettag $0x2  }
0x47: {  	s0 =	rddreg [dreg:$0x0];
	s2 =	stileid.u32  }
0x48: {  	s1 =	rddreg [dreg:$0x1];
	p0 =	sne.s32 s2, $0x0  }
0x49: {  	s3 =	rddreg [dreg:$0x2];
	[bflag:$0x3] =	sbarrier.arrive $0xFFFF;
	s2 =	simm.s32 @!p0 $0x1C01  }
0x4a: {  	[timem:s3], [sflag:s2] =	dma.local @!p0 [hbm:s0], s1  }
0x4b: {  	s0 =	simm.s32 @!p0 $0x1  }
0x4c: {  	_ =	swait.ge @!p0 [sflag:s0], s1  }
0x4d: {  	s1 =	ssub.s32 @!p0 $0x0, s1;
	[sflag:s0] =	ssyncset.done @!p0 $0x0  }
0x4e: {  	[sflag:s0] =	ssyncadd.s32 @!p0 s1  }
0x4f: {  	[bflag:$0x3] =	sbarrier.arrive $0xFFFF  }
0x50: {  	_ =	shalt  }

</sc_bundles>
